<compile_context>
chip_gen: v7x
topology: tpu7x:2x2x1
jax: 0.10.2.dev20260603
libtpu: 0.0.44.dev20260713+nightly
codegen_flags: <defaults>
</compile_context>

<pallas_src>
import functools

import jax
import jax.numpy as jnp
from jax import lax
from jax.experimental import pallas as pl
from jax.experimental.pallas import tpu as pltpu
from jax.experimental.pallas import tpu_sc as plsc


def _dot_t(a, b):
    return lax.dot_general(a, b, (((1,), (1,)), ((), ())),
                           preferred_element_type=jnp.float32)



def _pre_body(cb_ref, wu_ref, cup_ref, ct_ref, cn_ref, iota_ref):
    cb = cb_ref[...]
    cup_ref[...] = _dot_t(cb, wu_ref[...])
    ct = jnp.transpose(cb)
    ct_ref[...] = ct
    cn_ref[...] = jnp.sum(ct * ct, axis=0, keepdims=True)
    K = cb.shape[0]
    iota_ref[...] = lax.broadcasted_iota(
        jnp.int32, (1, K), 1).astype(jnp.float32)


def _precompute(codebook, W_up):
    K, DC = codebook.shape
    DIN = W_up.shape[0]
    return pl.pallas_call(
        _pre_body,
        out_shape=[
            jax.ShapeDtypeStruct((K, DIN), jnp.float32),
            jax.ShapeDtypeStruct((DC, K), jnp.float32),
            jax.ShapeDtypeStruct((1, K), jnp.float32),
            jax.ShapeDtypeStruct((1, K), jnp.float32),
        ],
    )(codebook, W_up)



_BPS = 4


def _vq_body(z_ref, wd_ref, ct_ref, cn_ref, iota_ref,
             zd_ref, code_ref, loss_ref):
    T, DC = zd_ref.shape[1], zd_ref.shape[2]
    TB = T // _BPS
    K = ct_ref.shape[1]
    zd = _dot_t(z_ref[0], wd_ref[...])
    zd_ref[0] = zd
    H = T // 4
    ms = []
    for h in range(4):
        zh = zd[h * H:(h + 1) * H]
        s = jnp.dot(zh, ct_ref[...],
                    preferred_element_type=jnp.float32)
        zn = jnp.sum(zh * zh, axis=1, keepdims=True)
        dist = zn - 2.0 * s + cn_ref[...]
        m = jnp.min(dist, axis=1, keepdims=True)
        hit = jnp.where(dist <= m, iota_ref[...], jnp.float32(K))
        code_ref[0, 0, h * H:(h + 1) * H] = jnp.min(hit, axis=1).astype(
            jnp.int32)
        ms.append(m)
    m = jnp.concatenate(ms, axis=0)
    inv = 1.0 / (TB * DC)
    sub = lax.broadcasted_iota(jnp.int32, (_BPS, T), 0)
    tok = lax.broadcasted_iota(jnp.int32, (_BPS, T), 1)
    lo = sub * TB
    sel = ((tok >= lo) & (tok < lo + TB)).astype(jnp.float32)
    lsum = jnp.dot(sel, m, preferred_element_type=jnp.float32)
    loss_ref[0] = jnp.broadcast_to(lsum * inv, (_BPS, 128))


def _vq_quantize(z_e, W_down, ct, cn, iota):
    B, T0, DIN = z_e.shape
    DC, K = ct.shape
    G = B // _BPS
    T = T0 * _BPS
    z_r = z_e.reshape(G, T, DIN)
    zd, code3, loss3 = pl.pallas_call(
        _vq_body,
        grid=(G,),
        in_specs=[
            pl.BlockSpec((1, T, DIN), lambda b: (b, 0, 0)),
            pl.BlockSpec((DC, DIN), lambda b: (0, 0)),
            pl.BlockSpec((DC, K), lambda b: (0, 0)),
            pl.BlockSpec((1, K), lambda b: (0, 0)),
            pl.BlockSpec((1, K), lambda b: (0, 0)),
        ],
        out_specs=[
            pl.BlockSpec((1, T, DC), lambda b: (b, 0, 0)),
            pl.BlockSpec((1, 1, T), lambda b: (b, 0, 0)),
            pl.BlockSpec((1, _BPS, 128), lambda b: (b, 0, 0)),
        ],
        out_shape=[
            jax.ShapeDtypeStruct((G, T, DC), jnp.float32),
            jax.ShapeDtypeStruct((G, 1, T), jnp.int32),
            jax.ShapeDtypeStruct((G, _BPS, 128), jnp.float32),
        ],
    )(z_r, W_down, ct, cn, iota)
    return (zd.reshape(B, T0, DC), code3.reshape(B, T0),
            loss3.reshape(B, 128)[:, 0])



def _sc_gather(cup, code_flat):
    info = plsc.get_sparse_core_info()
    NC, NS = info.num_cores, info.num_subcores
    NW = NC * NS
    n = code_flat.shape[0]
    D = cup.shape[1]
    bpw = n // NW
    CH = 96
    nch = bpw // CH
    mesh = plsc.VectorSubcoreMesh(core_axis_name="c", subcore_axis_name="s")

    @functools.partial(
        pl.kernel,
        mesh=mesh,
        out_type=jax.ShapeDtypeStruct((n, D), jnp.float32),
        scratch_types=[
            pltpu.VMEM((bpw,), jnp.int32),
            pltpu.VMEM((2, CH, D), jnp.float32),
            pltpu.SemaphoreType.DMA,
            pltpu.SemaphoreType.DMA,
        ],
    )
    def k(cup_hbm, idx_hbm, out_hbm, idx_v, rows_v, gsem, ssem):
        wid = lax.axis_index("s") * NC + lax.axis_index("c")
        base = wid * bpw
        pltpu.sync_copy(idx_hbm.at[pl.ds(base, bpw)], idx_v)
        gathers = [None] * nch
        scatters = [None] * nch
        gathers[0] = pltpu.async_copy(
            cup_hbm.at[idx_v.at[pl.ds(0, CH)]], rows_v.at[0], gsem)
        for j in range(nch):
            gathers[j].wait()
            if j + 1 < nch:
                if j - 1 >= 0:
                    scatters[j - 1].wait()
                gathers[j + 1] = pltpu.async_copy(
                    cup_hbm.at[idx_v.at[pl.ds((j + 1) * CH, CH)]],
                    rows_v.at[(j + 1) % 2], gsem)
            scatters[j] = pltpu.async_copy(
                rows_v.at[j % 2], out_hbm.at[pl.ds(base + j * CH, CH)], ssem)
        scatters[nch - 2].wait()
        scatters[nch - 1].wait()

    return k(cup, code_flat)



def kernel(z_e, W_down, W_up, codebook):
    B, T, DIN = z_e.shape
    cup, ct, cn, iota = _precompute(codebook, W_up)
    zd, code, loss = _vq_quantize(z_e, W_down, ct, cn, iota)
    zq_flat = _sc_gather(cup, code.reshape(B * T))
    z_q = zq_flat.reshape(B, T, DIN)
    return (z_q, zd, code, loss, loss)

# --- scband reference (transcript-rebuilt; emitter-appended) ---
"""Pipeline reference for scband-codebook-66949950210646 (READ-ONLY COPY).

The authoritative reference and input builder live on the scoring server;
editing this copy changes nothing except your own understanding.
"""

import jax, jax.numpy as jnp
import numpy as np


def setup_inputs(seed: int = 0) -> dict:
    key = jax.random.key(seed)
    k1, k2, k3, k4 = jax.random.split(key, 4)
    z_e = jax.random.normal(k1, (32, 576, 512), dtype=jnp.float32)
    # Learned parameters sized per init_kwargs
    # proj_down: Linear(512 -> 256, bias=False), torch weight shape [out, in] = [256, 512]
    W_down = jax.random.normal(k2, (256, 512), dtype=jnp.float32) * 0.02
    # proj_up: Linear(256 -> 512, bias=False), weight shape [512, 256]
    W_up = jax.random.normal(k3, (512, 256), dtype=jnp.float32) * 0.02
    # codebook embedding: [num_embeddings=1024, embedding_dim=256]
    codebook = jax.random.normal(k4, (1024, 256), dtype=jnp.float32) * 0.02
    return {"z_e": z_e, "W_down": W_down, "W_up": W_up, "codebook": codebook}


def reference(z_e, W_down, W_up, codebook):
    # proj_down (do_proj is True since input_dim != embedding_dim)
    z_e_down = jnp.einsum('btd,ed->bte', z_e, W_down)
    b, t, d = z_e_down.shape
    # quantize_to_code (l2norm=False)
    z_flat = z_e_down.reshape(b * t, d)
    dist = (jnp.sum(z_flat ** 2, axis=1, keepdims=True)
            - 2.0 * z_flat @ codebook.T
            + jnp.sum(codebook ** 2, axis=1, keepdims=True).T)
    code = jnp.argmin(dist, axis=1).reshape(b, t)
    # dequantize_code: embedding gather
    z_q_down = jnp.take(codebook, code, axis=0)
    # eval path: commitment_loss = mse(z_q_down, z_e_down).mean([1,2]); codebook_loss = same
    commitment_loss = jnp.mean((z_q_down - z_e_down) ** 2, axis=(1, 2))
    codebook_loss = commitment_loss
    # proj_up
    z_q = jnp.einsum('bte,de->btd', z_q_down, W_up)
    return (z_q, z_e_down, code, commitment_loss, codebook_loss)

if __name__ == "__main__":
    import jax
    _d = setup_inputs()
    print(jax.jit(kernel)(*tuple(_d.values())))

</pallas_src>

<mosaic_0001>
#map = affine_map<(d0, d1) -> (0, 0)>
#map1 = affine_map<(d0, d1) -> (0)>
module attributes {stable_mosaic.version = 14 : i64} {
  func.func @k(%arg0: i32, %arg1: i32, %arg2: memref<1024x512xf32, #tpu.memory_space<hbm>>, %arg3: memref<18432xi32, #tpu.memory_space<hbm>>, %arg4: memref<18432x512xf32, #tpu.memory_space<hbm>>, %arg5: memref<576xi32, #tpu.memory_space<vmem>>, %arg6: memref<2x96x512xf32, #tpu.memory_space<vmem>>, %arg7: memref<!tpu.dma_semaphore, #tpu.memory_space<semaphore_mem>>, %arg8: memref<!tpu.dma_semaphore, #tpu.memory_space<semaphore_mem>>) attributes {dimension_semantics = [#tpu.dimension_semantics<core_parallel>, #tpu.dimension_semantics<subcore_parallel>], iteration_bounds = array<i64: 2, 16>, scalar_prefetch = 0 : i64, scratch_operands = 4 : i64, tpu.core_type = #tpu.core_type<sc_vector_subcore>, window_params = [{transform_indices = #map}, {transform_indices = #map1}, {transform_indices = #map}]} {
    %mul3A = arith.constant 2 : i32
    %mul3A_0 = arith.muli %arg1, %mul3A : i32
    %add3A = arith.addi %mul3A_0, %arg0 : i32
    %mul3A_1 = arith.constant 576 : i32
    %mul3A_2 = arith.muli %add3A, %mul3A_1 : i32
    "tpu.region"() ({
      %run_scoped3A = tpu.sem_alloc : memref<!tpu.dma_semaphore, #tpu.memory_space<semaphore_mem>>
      %dma_start3A_289 = tpu.memref_slice %arg3[%mul3A_2] : memref<18432xi32, #tpu.memory_space<hbm>> -> memref<576xi32, #tpu.memory_space<hbm>>
      %dma_start3A_290 = tpu.memref_slice %arg3[%mul3A_2] : memref<18432xi32, #tpu.memory_space<hbm>> -> memref<576xi32, #tpu.memory_space<hbm>>
      tpu.enqueue_dma source(%dma_start3A_290 : memref<576xi32, #tpu.memory_space<hbm>>) target(%arg5 : memref<576xi32, #tpu.memory_space<vmem>>) target_semaphore(%run_scoped3A : memref<!tpu.dma_semaphore, #tpu.memory_space<semaphore_mem>>)
      %dma_wait3A_291 = tpu.memref_slice %arg3[%mul3A_2] : memref<18432xi32, #tpu.memory_space<hbm>> -> memref<576xi32, #tpu.memory_space<hbm>>
      %dma_wait3A_292 = tpu.memref_slice %arg3[%mul3A_2] : memref<18432xi32, #tpu.memory_space<hbm>> -> memref<576xi32, #tpu.memory_space<hbm>>
      tpu.wait_dma2 semaphore(%run_scoped3A : memref<!tpu.dma_semaphore, #tpu.memory_space<semaphore_mem>>) src(%dma_wait3A_292 : memref<576xi32, #tpu.memory_space<hbm>>) dst(%arg5 : memref<576xi32, #tpu.memory_space<vmem>>)
      tpu.yield
    }) : () -> ()
    %dma_start3A = arith.constant 0 : i32
    %dma_start3A_3 = arith.constant 0 : i32
    %dma_start3A_4 = arith.constant 0 : i32
    %dma_start3A_5 = tpu.memref_slice %arg6[%dma_start3A, %dma_start3A_3, %dma_start3A_4] : memref<2x96x512xf32, #tpu.memory_space<vmem>> -> memref<1x96x512xf32, #tpu.memory_space<vmem>>
    %dma_start3A_6 = tpu.memref_squeeze %dma_start3A_5 : memref<1x96x512xf32, #tpu.memory_space<vmem>> -> memref<96x512xf32, #tpu.memory_space<vmem>>
    %dma_start3A_7 = arith.constant 0 : i32
    %dma_start3A_8 = tpu.memref_slice %arg5[%dma_start3A_7] : memref<576xi32, #tpu.memory_space<vmem>> -> memref<96xi32, #tpu.memory_space<vmem>>
    %dma_start3A_9 = arith.constant 0 : i32
    %dma_start3A_10 = arith.constant 0 : i32
    %dma_start3A_11 = tpu.memref_slice %arg2[%dma_start3A_9, %dma_start3A_10] : memref<1024x512xf32, #tpu.memory_space<hbm>> -> memref<1024x512xf32, #tpu.memory_space<hbm>>
    tpu.enqueue_indirect_dma source(%dma_start3A_11 : memref<1024x512xf32, #tpu.memory_space<hbm>>) target(%dma_start3A_6 : memref<96x512xf32, #tpu.memory_space<vmem>>) offsets(%dma_start3A_8 : memref<96xi32, #tpu.memory_space<vmem>>) semaphore(%arg7 : memref<!tpu.dma_semaphore, #tpu.memory_space<semaphore_mem>>)
    %dma_wait3A = arith.constant 0 : i32
    %dma_wait3A_12 = arith.constant 0 : i32
    %dma_wait3A_13 = arith.constant 0 : i32
    %dma_wait3A_14 = tpu.memref_slice %arg6[%dma_wait3A, %dma_wait3A_12, %dma_wait3A_13] : memref<2x96x512xf32, #tpu.memory_space<vmem>> -> memref<1x96x512xf32, #tpu.memory_space<vmem>>
    %dma_wait3A_15 = tpu.memref_squeeze %dma_wait3A_14 : memref<1x96x512xf32, #tpu.memory_space<vmem>> -> memref<96x512xf32, #tpu.memory_space<vmem>>
    %dma_wait3A_16 = arith.constant 0 : i32
    %dma_wait3A_17 = tpu.memref_slice %arg5[%dma_wait3A_16] : memref<576xi32, #tpu.memory_space<vmem>> -> memref<96xi32, #tpu.memory_space<vmem>>
    %dma_wait3A_18 = arith.constant 0 : i32
    %dma_wait3A_19 = arith.constant 0 : i32
    %dma_wait3A_20 = tpu.memref_slice %arg2[%dma_wait3A_18, %dma_wait3A_19] : memref<1024x512xf32, #tpu.memory_space<hbm>> -> memref<1024x512xf32, #tpu.memory_space<hbm>>
    tpu.wait_indirect_dma semaphore(%arg7 : memref<!tpu.dma_semaphore, #tpu.memory_space<semaphore_mem>>) src(%dma_wait3A_20 : memref<1024x512xf32, #tpu.memory_space<hbm>>) dst(%dma_wait3A_15 : memref<96x512xf32, #tpu.memory_space<vmem>>)
    %dma_start3A_21 = arith.constant 1 : i32
    %dma_start3A_22 = arith.constant 0 : i32
    %dma_start3A_23 = arith.constant 0 : i32
    %dma_start3A_24 = tpu.memref_slice %arg6[%dma_start3A_21, %dma_start3A_22, %dma_start3A_23] : memref<2x96x512xf32, #tpu.memory_space<vmem>> -> memref<1x96x512xf32, #tpu.memory_space<vmem>>
    %dma_start3A_25 = tpu.memref_squeeze %dma_start3A_24 : memref<1x96x512xf32, #tpu.memory_space<vmem>> -> memref<96x512xf32, #tpu.memory_space<vmem>>
    %dma_start3A_26 = arith.constant 96 : i32
    %dma_start3A_27 = tpu.memref_slice %arg5[%dma_start3A_26] : memref<576xi32, #tpu.memory_space<vmem>> -> memref<96xi32, #tpu.memory_space<vmem>>
    %dma_start3A_28 = arith.constant 0 : i32
    %dma_start3A_29 = arith.constant 0 : i32
    %dma_start3A_30 = tpu.memref_slice %arg2[%dma_start3A_28, %dma_start3A_29] : memref<1024x512xf32, #tpu.memory_space<hbm>> -> memref<1024x512xf32, #tpu.memory_space<hbm>>
    tpu.enqueue_indirect_dma source(%dma_start3A_30 : memref<1024x512xf32, #tpu.memory_space<hbm>>) target(%dma_start3A_25 : memref<96x512xf32, #tpu.memory_space<vmem>>) offsets(%dma_start3A_27 : memref<96xi32, #tpu.memory_space<vmem>>) semaphore(%arg7 : memref<!tpu.dma_semaphore, #tpu.memory_space<semaphore_mem>>)
    %add3A_31 = arith.constant 0 : i32
    %add3A_32 = arith.addi %mul3A_2, %add3A_31 : i32
    %dma_start3A_33 = arith.constant 0 : i32
    %dma_start3A_34 = arith.constant 0 : i32
    %dma_start3A_35 = arith.constant 0 : i32
    %dma_start3A_36 = tpu.memref_slice %arg6[%dma_start3A_33, %dma_start3A_34, %dma_start3A_35] : memref<2x96x512xf32, #tpu.memory_space<vmem>> -> memref<1x96x512xf32, #tpu.memory_space<vmem>>
    %dma_start3A_37 = tpu.memref_squeeze %dma_start3A_36 : memref<1x96x512xf32, #tpu.memory_space<vmem>> -> memref<96x512xf32, #tpu.memory_space<vmem>>
    %dma_start3A_38 = arith.constant 0 : i32
    %dma_start3A_39 = tpu.memref_slice %arg4[%add3A_32, %dma_start3A_38] : memref<18432x512xf32, #tpu.memory_space<hbm>> -> memref<96x512xf32, #tpu.memory_space<hbm>>
    %dma_start3A_40 = arith.constant 0 : i32
    %dma_start3A_41 = tpu.memref_slice %arg4[%add3A_32, %dma_start3A_40] : memref<18432x512xf32, #tpu.memory_space<hbm>> -> memref<96x512xf32, #tpu.memory_space<hbm>>
    %dma_start3A_42 = arith.constant 0 : i32
    %dma_start3A_43 = arith.constant 0 : i32
    %dma_start3A_44 = tpu.memref_slice %arg6[%dma_start3A_33, %dma_start3A_42, %dma_start3A_43] : memref<2x96x512xf32, #tpu.memory_space<vmem>> -> memref<1x96x512xf32, #tpu.memory_space<vmem>>
    %dma_start3A_45 = tpu.memref_squeeze %dma_start3A_44 : memref<1x96x512xf32, #tpu.memory_space<vmem>> -> memref<96x512xf32, #tpu.memory_space<vmem>>
    tpu.enqueue_dma source(%dma_start3A_45 : memref<96x512xf32, #tpu.memory_space<vmem>>) target(%dma_start3A_41 : memref<96x512xf32, #tpu.memory_space<hbm>>) target_semaphore(%arg8 : memref<!tpu.dma_semaphore, #tpu.memory_space<semaphore_mem>>)
    %dma_wait3A_46 = arith.constant 1 : i32
    %dma_wait3A_47 = arith.constant 0 : i32
    %dma_wait3A_48 = arith.constant 0 : i32
    %dma_wait3A_49 = tpu.memref_slice %arg6[%dma_wait3A_46, %dma_wait3A_47, %dma_wait3A_48] : memref<2x96x512xf32, #tpu.memory_space<vmem>> -> memref<1x96x512xf32, #tpu.memory_space<vmem>>
    %dma_wait3A_50 = tpu.memref_squeeze %dma_wait3A_49 : memref<1x96x512xf32, #tpu.memory_space<vmem>> -> memref<96x512xf32, #tpu.memory_space<vmem>>
    %dma_wait3A_51 = arith.constant 96 : i32
    %dma_wait3A_52 = tpu.memref_slice %arg5[%dma_wait3A_51] : memref<576xi32, #tpu.memory_space<vmem>> -> memref<96xi32, #tpu.memory_space<vmem>>
    %dma_wait3A_53 = arith.constant 0 : i32
    %dma_wait3A_54 = arith.constant 0 : i32
    %dma_wait3A_55 = tpu.memref_slice %arg2[%dma_wait3A_53, %dma_wait3A_54] : memref<1024x512xf32, #tpu.memory_space<hbm>> -> memref<1024x512xf32, #tpu.memory_space<hbm>>
    tpu.wait_indirect_dma semaphore(%arg7 : memref<!tpu.dma_semaphore, #tpu.memory_space<semaphore_mem>>) src(%dma_wait3A_55 : memref<1024x512xf32, #tpu.memory_space<hbm>>) dst(%dma_wait3A_50 : memref<96x512xf32, #tpu.memory_space<vmem>>)
    %dma_wait3A_56 = arith.constant 0 : i32
    %dma_wait3A_57 = arith.constant 0 : i32
    %dma_wait3A_58 = arith.constant 0 : i32
    %dma_wait3A_59 = tpu.memref_slice %arg6[%dma_wait3A_56, %dma_wait3A_57, %dma_wait3A_58] : memref<2x96x512xf32, #tpu.memory_space<vmem>> -> memref<1x96x512xf32, #tpu.memory_space<vmem>>
    %dma_wait3A_60 = tpu.memref_squeeze %dma_wait3A_59 : memref<1x96x512xf32, #tpu.memory_space<vmem>> -> memref<96x512xf32, #tpu.memory_space<vmem>>
    %dma_wait3A_61 = arith.constant 0 : i32
    %dma_wait3A_62 = tpu.memref_slice %arg4[%add3A_32, %dma_wait3A_61] : memref<18432x512xf32, #tpu.memory_space<hbm>> -> memref<96x512xf32, #tpu.memory_space<hbm>>
    %dma_wait3A_63 = arith.constant 0 : i32
    %dma_wait3A_64 = tpu.memref_slice %arg4[%add3A_32, %dma_wait3A_63] : memref<18432x512xf32, #tpu.memory_space<hbm>> -> memref<96x512xf32, #tpu.memory_space<hbm>>
    %dma_wait3A_65 = arith.constant 0 : i32
    %dma_wait3A_66 = arith.constant 0 : i32
    %dma_wait3A_67 = tpu.memref_slice %arg6[%dma_wait3A_56, %dma_wait3A_65, %dma_wait3A_66] : memref<2x96x512xf32, #tpu.memory_space<vmem>> -> memref<1x96x512xf32, #tpu.memory_space<vmem>>
    %dma_wait3A_68 = tpu.memref_squeeze %dma_wait3A_67 : memref<1x96x512xf32, #tpu.memory_space<vmem>> -> memref<96x512xf32, #tpu.memory_space<vmem>>
    tpu.wait_dma2 semaphore(%arg8 : memref<!tpu.dma_semaphore, #tpu.memory_space<semaphore_mem>>) src(%dma_wait3A_68 : memref<96x512xf32, #tpu.memory_space<vmem>>) dst(%dma_wait3A_64 : memref<96x512xf32, #tpu.memory_space<hbm>>)
    %dma_start3A_69 = arith.constant 0 : i32
    %dma_start3A_70 = arith.constant 0 : i32
    %dma_start3A_71 = arith.constant 0 : i32
    %dma_start3A_72 = tpu.memref_slice %arg6[%dma_start3A_69, %dma_start3A_70, %dma_start3A_71] : memref<2x96x512xf32, #tpu.memory_space<vmem>> -> memref<1x96x512xf32, #tpu.memory_space<vmem>>
    %dma_start3A_73 = tpu.memref_squeeze %dma_start3A_72 : memref<1x96x512xf32, #tpu.memory_space<vmem>> -> memref<96x512xf32, #tpu.memory_space<vmem>>
    %dma_start3A_74 = arith.constant 192 : i32
    %dma_start3A_75 = tpu.memref_slice %arg5[%dma_start3A_74] : memref<576xi32, #tpu.memory_space<vmem>> -> memref<96xi32, #tpu.memory_space<vmem>>
    %dma_start3A_76 = arith.constant 0 : i32
    %dma_start3A_77 = arith.constant 0 : i32
    %dma_start3A_78 = tpu.memref_slice %arg2[%dma_start3A_76, %dma_start3A_77] : memref<1024x512xf32, #tpu.memory_space<hbm>> -> memref<1024x512xf32, #tpu.memory_space<hbm>>
    tpu.enqueue_indirect_dma source(%dma_start3A_78 : memref<1024x512xf32, #tpu.memory_space<hbm>>) target(%dma_start3A_73 : memref<96x512xf32, #tpu.memory_space<vmem>>) offsets(%dma_start3A_75 : memref<96xi32, #tpu.memory_space<vmem>>) semaphore(%arg7 : memref<!tpu.dma_semaphore, #tpu.memory_space<semaphore_mem>>)
    %add3A_79 = arith.constant 96 : i32
    %add3A_80 = arith.addi %mul3A_2, %add3A_79 : i32
    %dma_start3A_81 = arith.constant 1 : i32
    %dma_start3A_82 = arith.constant 0 : i32
    %dma_start3A_83 = arith.constant 0 : i32
    %dma_start3A_84 = tpu.memref_slice %arg6[%dma_start3A_81, %dma_start3A_82, %dma_start3A_83] : memref<2x96x512xf32, #tpu.memory_space<vmem>> -> memref<1x96x512xf32, #tpu.memory_space<vmem>>
    %dma_start3A_85 = tpu.memref_squeeze %dma_start3A_84 : memref<1x96x512xf32, #tpu.memory_space<vmem>> -> memref<96x512xf32, #tpu.memory_space<vmem>>
    %dma_start3A_86 = arith.constant 0 : i32
    %dma_start3A_87 = tpu.memref_slice %arg4[%add3A_80, %dma_start3A_86] : memref<18432x512xf32, #tpu.memory_space<hbm>> -> memref<96x512xf32, #tpu.memory_space<hbm>>
    %dma_start3A_88 = arith.constant 0 : i32
    %dma_start3A_89 = tpu.memref_slice %arg4[%add3A_80, %dma_start3A_88] : memref<18432x512xf32, #tpu.memory_space<hbm>> -> memref<96x512xf32, #tpu.memory_space<hbm>>
    %dma_start3A_90 = arith.constant 0 : i32
    %dma_start3A_91 = arith.constant 0 : i32
    %dma_start3A_92 = tpu.memref_slice %arg6[%dma_start3A_81, %dma_start3A_90, %dma_start3A_91] : memref<2x96x512xf32, #tpu.memory_space<vmem>> -> memref<1x96x512xf32, #tpu.memory_space<vmem>>
    %dma_start3A_93 = tpu.memref_squeeze %dma_start3A_92 : memref<1x96x512xf32, #tpu.memory_space<vmem>> -> memref<96x512xf32, #tpu.memory_space<vmem>>
    tpu.enqueue_dma source(%dma_start3A_93 : memref<96x512xf32, #tpu.memory_space<vmem>>) target(%dma_start3A_89 : memref<96x512xf32, #tpu.memory_space<hbm>>) target_semaphore(%arg8 : memref<!tpu.dma_semaphore, #tpu.memory_space<semaphore_mem>>)
    %dma_wait3A_94 = arith.constant 0 : i32
    %dma_wait3A_95 = arith.constant 0 : i32
    %dma_wait3A_96 = arith.constant 0 : i32
    %dma_wait3A_97 = tpu.memref_slice %arg6[%dma_wait3A_94, %dma_wait3A_95, %dma_wait3A_96] : memref<2x96x512xf32, #tpu.memory_space<vmem>> -> memref<1x96x512xf32, #tpu.memory_space<vmem>>
    %dma_wait3A_98 = tpu.memref_squeeze %dma_wait3A_97 : memref<1x96x512xf32, #tpu.memory_space<vmem>> -> memref<96x512xf32, #tpu.memory_space<vmem>>
    %dma_wait3A_99 = arith.constant 192 : i32
    %dma_wait3A_100 = tpu.memref_slice %arg5[%dma_wait3A_99] : memref<576xi32, #tpu.memory_space<vmem>> -> memref<96xi32, #tpu.memory_space<vmem>>
    %dma_wait3A_101 = arith.constant 0 : i32
    %dma_wait3A_102 = arith.constant 0 : i32
    %dma_wait3A_103 = tpu.memref_slice %arg2[%dma_wait3A_101, %dma_wait3A_102] : memref<1024x512xf32, #tpu.memory_space<hbm>> -> memref<1024x512xf32, #tpu.memory_space<hbm>>
    tpu.wait_indirect_dma semaphore(%arg7 : memref<!tpu.dma_semaphore, #tpu.memory_space<semaphore_mem>>) src(%dma_wait3A_103 : memref<1024x512xf32, #tpu.memory_space<hbm>>) dst(%dma_wait3A_98 : memref<96x512xf32, #tpu.memory_space<vmem>>)
    %dma_wait3A_104 = arith.constant 1 : i32
    %dma_wait3A_105 = arith.constant 0 : i32
    %dma_wait3A_106 = arith.constant 0 : i32
    %dma_wait3A_107 = tpu.memref_slice %arg6[%dma_wait3A_104, %dma_wait3A_105, %dma_wait3A_106] : memref<2x96x512xf32, #tpu.memory_space<vmem>> -> memref<1x96x512xf32, #tpu.memory_space<vmem>>
    %dma_wait3A_108 = tpu.memref_squeeze %dma_wait3A_107 : memref<1x96x512xf32, #tpu.memory_space<vmem>> -> memref<96x512xf32, #tpu.memory_space<vmem>>
    %dma_wait3A_109 = arith.constant 0 : i32
    %dma_wait3A_110 = tpu.memref_slice %arg4[%add3A_80, %dma_wait3A_109] : memref<18432x512xf32, #tpu.memory_space<hbm>> -> memref<96x512xf32, #tpu.memory_space<hbm>>
    %dma_wait3A_111 = arith.constant 0 : i32
    %dma_wait3A_112 = tpu.memref_slice %arg4[%add3A_80, %dma_wait3A_111] : memref<18432x512xf32, #tpu.memory_space<hbm>> -> memref<96x512xf32, #tpu.memory_space<hbm>>
    %dma_wait3A_113 = arith.constant 0 : i32
    %dma_wait3A_114 = arith.constant 0 : i32
    %dma_wait3A_115 = tpu.memref_slice %arg6[%dma_wait3A_104, %dma_wait3A_113, %dma_wait3A_114] : memref<2x96x512xf32, #tpu.memory_space<vmem>> -> memref<1x96x512xf32, #tpu.memory_space<vmem>>
    %dma_wait3A_116 = tpu.memref_squeeze %dma_wait3A_115 : memref<1x96x512xf32, #tpu.memory_space<vmem>> -> memref<96x512xf32, #tpu.memory_space<vmem>>
    tpu.wait_dma2 semaphore(%arg8 : memref<!tpu.dma_semaphore, #tpu.memory_space<semaphore_mem>>) src(%dma_wait3A_116 : memref<96x512xf32, #tpu.memory_space<vmem>>) dst(%dma_wait3A_112 : memref<96x512xf32, #tpu.memory_space<hbm>>)
    %dma_start3A_117 = arith.constant 1 : i32
    %dma_start3A_118 = arith.constant 0 : i32
    %dma_start3A_119 = arith.constant 0 : i32
    %dma_start3A_120 = tpu.memref_slice %arg6[%dma_start3A_117, %dma_start3A_118, %dma_start3A_119] : memref<2x96x512xf32, #tpu.memory_space<vmem>> -> memref<1x96x512xf32, #tpu.memory_space<vmem>>
    %dma_start3A_121 = tpu.memref_squeeze %dma_start3A_120 : memref<1x96x512xf32, #tpu.memory_space<vmem>> -> memref<96x512xf32, #tpu.memory_space<vmem>>
    %dma_start3A_122 = arith.constant 288 : i32
    %dma_start3A_123 = tpu.memref_slice %arg5[%dma_start3A_122] : memref<576xi32, #tpu.memory_space<vmem>> -> memref<96xi32, #tpu.memory_space<vmem>>
    %dma_start3A_124 = arith.constant 0 : i32
    %dma_start3A_125 = arith.constant 0 : i32
    %dma_start3A_126 = tpu.memref_slice %arg2[%dma_start3A_124, %dma_start3A_125] : memref<1024x512xf32, #tpu.memory_space<hbm>> -> memref<1024x512xf32, #tpu.memory_space<hbm>>
    tpu.enqueue_indirect_dma source(%dma_start3A_126 : memref<1024x512xf32, #tpu.memory_space<hbm>>) target(%dma_start3A_121 : memref<96x512xf32, #tpu.memory_space<vmem>>) offsets(%dma_start3A_123 : memref<96xi32, #tpu.memory_space<vmem>>) semaphore(%arg7 : memref<!tpu.dma_semaphore, #tpu.memory_space<semaphore_mem>>)
    %add3A_127 = arith.constant 192 : i32
    %add3A_128 = arith.addi %mul3A_2, %add3A_127 : i32
    %dma_start3A_129 = arith.constant 0 : i32
    %dma_start3A_130 = arith.constant 0 : i32
    %dma_start3A_131 = arith.constant 0 : i32
    %dma_start3A_132 = tpu.memref_slice %arg6[%dma_start3A_129, %dma_start3A_130, %dma_start3A_131] : memref<2x96x512xf32, #tpu.memory_space<vmem>> -> memref<1x96x512xf32, #tpu.memory_space<vmem>>
    %dma_start3A_133 = tpu.memref_squeeze %dma_start3A_132 : memref<1x96x512xf32, #tpu.memory_space<vmem>> -> memref<96x512xf32, #tpu.memory_space<vmem>>
    %dma_start3A_134 = arith.constant 0 : i32
    %dma_start3A_135 = tpu.memref_slice %arg4[%add3A_128, %dma_start3A_134] : memref<18432x512xf32, #tpu.memory_space<hbm>> -> memref<96x512xf32, #tpu.memory_space<hbm>>
    %dma_start3A_136 = arith.constant 0 : i32
    %dma_start3A_137 = tpu.memref_slice %arg4[%add3A_128, %dma_start3A_136] : memref<18432x512xf32, #tpu.memory_space<hbm>> -> memref<96x512xf32, #tpu.memory_space<hbm>>
    %dma_start3A_138 = arith.constant 0 : i32
    %dma_start3A_139 = arith.constant 0 : i32
    %dma_start3A_140 = tpu.memref_slice %arg6[%dma_start3A_129, %dma_start3A_138, %dma_start3A_139] : memref<2x96x512xf32, #tpu.memory_space<vmem>> -> memref<1x96x512xf32, #tpu.memory_space<vmem>>
    %dma_start3A_141 = tpu.memref_squeeze %dma_start3A_140 : memref<1x96x512xf32, #tpu.memory_space<vmem>> -> memref<96x512xf32, #tpu.memory_space<vmem>>
    tpu.enqueue_dma source(%dma_start3A_141 : memref<96x512xf32, #tpu.memory_space<vmem>>) target(%dma_start3A_137 : memref<96x512xf32, #tpu.memory_space<hbm>>) target_semaphore(%arg8 : memref<!tpu.dma_semaphore, #tpu.memory_space<semaphore_mem>>)
    %dma_wait3A_142 = arith.constant 1 : i32
    %dma_wait3A_143 = arith.constant 0 : i32
    %dma_wait3A_144 = arith.constant 0 : i32
    %dma_wait3A_145 = tpu.memref_slice %arg6[%dma_wait3A_142, %dma_wait3A_143, %dma_wait3A_144] : memref<2x96x512xf32, #tpu.memory_space<vmem>> -> memref<1x96x512xf32, #tpu.memory_space<vmem>>
    %dma_wait3A_146 = tpu.memref_squeeze %dma_wait3A_145 : memref<1x96x512xf32, #tpu.memory_space<vmem>> -> memref<96x512xf32, #tpu.memory_space<vmem>>
    %dma_wait3A_147 = arith.constant 288 : i32
    %dma_wait3A_148 = tpu.memref_slice %arg5[%dma_wait3A_147] : memref<576xi32, #tpu.memory_space<vmem>> -> memref<96xi32, #tpu.memory_space<vmem>>
    %dma_wait3A_149 = arith.constant 0 : i32
    %dma_wait3A_150 = arith.constant 0 : i32
    %dma_wait3A_151 = tpu.memref_slice %arg2[%dma_wait3A_149, %dma_wait3A_150] : memref<1024x512xf32, #tpu.memory_space<hbm>> -> memref<1024x512xf32, #tpu.memory_space<hbm>>
    tpu.wait_indirect_dma semaphore(%arg7 : memref<!tpu.dma_semaphore, #tpu.memory_space<semaphore_mem>>) src(%dma_wait3A_151 : memref<1024x512xf32, #tpu.memory_space<hbm>>) dst(%dma_wait3A_146 : memref<96x512xf32, #tpu.memory_space<vmem>>)
    %dma_wait3A_152 = arith.constant 0 : i32
    %dma_wait3A_153 = arith.constant 0 : i32
    %dma_wait3A_154 = arith.constant 0 : i32
    %dma_wait3A_155 = tpu.memref_slice %arg6[%dma_wait3A_152, %dma_wait3A_153, %dma_wait3A_154] : memref<2x96x512xf32, #tpu.memory_space<vmem>> -> memref<1x96x512xf32, #tpu.memory_space<vmem>>
    %dma_wait3A_156 = tpu.memref_squeeze %dma_wait3A_155 : memref<1x96x512xf32, #tpu.memory_space<vmem>> -> memref<96x512xf32, #tpu.memory_space<vmem>>
    %dma_wait3A_157 = arith.constant 0 : i32
    %dma_wait3A_158 = tpu.memref_slice %arg4[%add3A_128, %dma_wait3A_157] : memref<18432x512xf32, #tpu.memory_space<hbm>> -> memref<96x512xf32, #tpu.memory_space<hbm>>
    %dma_wait3A_159 = arith.constant 0 : i32
    %dma_wait3A_160 = tpu.memref_slice %arg4[%add3A_128, %dma_wait3A_159] : memref<18432x512xf32, #tpu.memory_space<hbm>> -> memref<96x512xf32, #tpu.memory_space<hbm>>
    %dma_wait3A_161 = arith.constant 0 : i32
    %dma_wait3A_162 = arith.constant 0 : i32
    %dma_wait3A_163 = tpu.memref_slice %arg6[%dma_wait3A_152, %dma_wait3A_161, %dma_wait3A_162] : memref<2x96x512xf32, #tpu.memory_space<vmem>> -> memref<1x96x512xf32, #tpu.memory_space<vmem>>
    %dma_wait3A_164 = tpu.memref_squeeze %dma_wait3A_163 : memref<1x96x512xf32, #tpu.memory_space<vmem>> -> memref<96x512xf32, #tpu.memory_space<vmem>>
    tpu.wait_dma2 semaphore(%arg8 : memref<!tpu.dma_semaphore, #tpu.memory_space<semaphore_mem>>) src(%dma_wait3A_164 : memref<96x512xf32, #tpu.memory_space<vmem>>) dst(%dma_wait3A_160 : memref<96x512xf32, #tpu.memory_space<hbm>>)
    %dma_start3A_165 = arith.constant 0 : i32
    %dma_start3A_166 = arith.constant 0 : i32
    %dma_start3A_167 = arith.constant 0 : i32
    %dma_start3A_168 = tpu.memref_slice %arg6[%dma_start3A_165, %dma_start3A_166, %dma_start3A_167] : memref<2x96x512xf32, #tpu.memory_space<vmem>> -> memref<1x96x512xf32, #tpu.memory_space<vmem>>
    %dma_start3A_169 = tpu.memref_squeeze %dma_start3A_168 : memref<1x96x512xf32, #tpu.memory_space<vmem>> -> memref<96x512xf32, #tpu.memory_space<vmem>>
    %dma_start3A_170 = arith.constant 384 : i32
    %dma_start3A_171 = tpu.memref_slice %arg5[%dma_start3A_170] : memref<576xi32, #tpu.memory_space<vmem>> -> memref<96xi32, #tpu.memory_space<vmem>>
    %dma_start3A_172 = arith.constant 0 : i32
    %dma_start3A_173 = arith.constant 0 : i32
    %dma_start3A_174 = tpu.memref_slice %arg2[%dma_start3A_172, %dma_start3A_173] : memref<1024x512xf32, #tpu.memory_space<hbm>> -> memref<1024x512xf32, #tpu.memory_space<hbm>>
    tpu.enqueue_indirect_dma source(%dma_start3A_174 : memref<1024x512xf32, #tpu.memory_space<hbm>>) target(%dma_start3A_169 : memref<96x512xf32, #tpu.memory_space<vmem>>) offsets(%dma_start3A_171 : memref<96xi32, #tpu.memory_space<vmem>>) semaphore(%arg7 : memref<!tpu.dma_semaphore, #tpu.memory_space<semaphore_mem>>)
    %add3A_175 = arith.constant 288 : i32
    %add3A_176 = arith.addi %mul3A_2, %add3A_175 : i32
    %dma_start3A_177 = arith.constant 1 : i32
    %dma_start3A_178 = arith.constant 0 : i32
    %dma_start3A_179 = arith.constant 0 : i32
    %dma_start3A_180 = tpu.memref_slice %arg6[%dma_start3A_177, %dma_start3A_178, %dma_start3A_179] : memref<2x96x512xf32, #tpu.memory_space<vmem>> -> memref<1x96x512xf32, #tpu.memory_space<vmem>>
    %dma_start3A_181 = tpu.memref_squeeze %dma_start3A_180 : memref<1x96x512xf32, #tpu.memory_space<vmem>> -> memref<96x512xf32, #tpu.memory_space<vmem>>
    %dma_start3A_182 = arith.constant 0 : i32
    %dma_start3A_183 = tpu.memref_slice %arg4[%add3A_176, %dma_start3A_182] : memref<18432x512xf32, #tpu.memory_space<hbm>> -> memref<96x512xf32, #tpu.memory_space<hbm>>
    %dma_start3A_184 = arith.constant 0 : i32
    %dma_start3A_185 = tpu.memref_slice %arg4[%add3A_176, %dma_start3A_184] : memref<18432x512xf32, #tpu.memory_space<hbm>> -> memref<96x512xf32, #tpu.memory_space<hbm>>
    %dma_start3A_186 = arith.constant 0 : i32
    %dma_start3A_187 = arith.constant 0 : i32
    %dma_start3A_188 = tpu.memref_slice %arg6[%dma_start3A_177, %dma_start3A_186, %dma_start3A_187] : memref<2x96x512xf32, #tpu.memory_space<vmem>> -> memref<1x96x512xf32, #tpu.memory_space<vmem>>
    %dma_start3A_189 = tpu.memref_squeeze %dma_start3A_188 : memref<1x96x512xf32, #tpu.memory_space<vmem>> -> memref<96x512xf32, #tpu.memory_space<vmem>>
    tpu.enqueue_dma source(%dma_start3A_189 : memref<96x512xf32, #tpu.memory_space<vmem>>) target(%dma_start3A_185 : memref<96x512xf32, #tpu.memory_space<hbm>>) target_semaphore(%arg8 : memref<!tpu.dma_semaphore, #tpu.memory_space<semaphore_mem>>)
    %dma_wait3A_190 = arith.constant 0 : i32
    %dma_wait3A_191 = arith.constant 0 : i32
    %dma_wait3A_192 = arith.constant 0 : i32
    %dma_wait3A_193 = tpu.memref_slice %arg6[%dma_wait3A_190, %dma_wait3A_191, %dma_wait3A_192] : memref<2x96x512xf32, #tpu.memory_space<vmem>> -> memref<1x96x512xf32, #tpu.memory_space<vmem>>
    %dma_wait3A_194 = tpu.memref_squeeze %dma_wait3A_193 : memref<1x96x512xf32, #tpu.memory_space<vmem>> -> memref<96x512xf32, #tpu.memory_space<vmem>>
    %dma_wait3A_195 = arith.constant 384 : i32
    %dma_wait3A_196 = tpu.memref_slice %arg5[%dma_wait3A_195] : memref<576xi32, #tpu.memory_space<vmem>> -> memref<96xi32, #tpu.memory_space<vmem>>
    %dma_wait3A_197 = arith.constant 0 : i32
    %dma_wait3A_198 = arith.constant 0 : i32
    %dma_wait3A_199 = tpu.memref_slice %arg2[%dma_wait3A_197, %dma_wait3A_198] : memref<1024x512xf32, #tpu.memory_space<hbm>> -> memref<1024x512xf32, #tpu.memory_space<hbm>>
    tpu.wait_indirect_dma semaphore(%arg7 : memref<!tpu.dma_semaphore, #tpu.memory_space<semaphore_mem>>) src(%dma_wait3A_199 : memref<1024x512xf32, #tpu.memory_space<hbm>>) dst(%dma_wait3A_194 : memref<96x512xf32, #tpu.memory_space<vmem>>)
    %dma_wait3A_200 = arith.constant 1 : i32
    %dma_wait3A_201 = arith.constant 0 : i32
    %dma_wait3A_202 = arith.constant 0 : i32
    %dma_wait3A_203 = tpu.memref_slice %arg6[%dma_wait3A_200, %dma_wait3A_201, %dma_wait3A_202] : memref<2x96x512xf32, #tpu.memory_space<vmem>> -> memref<1x96x512xf32, #tpu.memory_space<vmem>>
    %dma_wait3A_204 = tpu.memref_squeeze %dma_wait3A_203 : memref<1x96x512xf32, #tpu.memory_space<vmem>> -> memref<96x512xf32, #tpu.memory_space<vmem>>
    %dma_wait3A_205 = arith.constant 0 : i32
    %dma_wait3A_206 = tpu.memref_slice %arg4[%add3A_176, %dma_wait3A_205] : memref<18432x512xf32, #tpu.memory_space<hbm>> -> memref<96x512xf32, #tpu.memory_space<hbm>>
    %dma_wait3A_207 = arith.constant 0 : i32
    %dma_wait3A_208 = tpu.memref_slice %arg4[%add3A_176, %dma_wait3A_207] : memref<18432x512xf32, #tpu.memory_space<hbm>> -> memref<96x512xf32, #tpu.memory_space<hbm>>
    %dma_wait3A_209 = arith.constant 0 : i32
    %dma_wait3A_210 = arith.constant 0 : i32
    %dma_wait3A_211 = tpu.memref_slice %arg6[%dma_wait3A_200, %dma_wait3A_209, %dma_wait3A_210] : memref<2x96x512xf32, #tpu.memory_space<vmem>> -> memref<1x96x512xf32, #tpu.memory_space<vmem>>
    %dma_wait3A_212 = tpu.memref_squeeze %dma_wait3A_211 : memref<1x96x512xf32, #tpu.memory_space<vmem>> -> memref<96x512xf32, #tpu.memory_space<vmem>>
    tpu.wait_dma2 semaphore(%arg8 : memref<!tpu.dma_semaphore, #tpu.memory_space<semaphore_mem>>) src(%dma_wait3A_212 : memref<96x512xf32, #tpu.memory_space<vmem>>) dst(%dma_wait3A_208 : memref<96x512xf32, #tpu.memory_space<hbm>>)
    %dma_start3A_213 = arith.constant 1 : i32
    %dma_start3A_214 = arith.constant 0 : i32
    %dma_start3A_215 = arith.constant 0 : i32
    %dma_start3A_216 = tpu.memref_slice %arg6[%dma_start3A_213, %dma_start3A_214, %dma_start3A_215] : memref<2x96x512xf32, #tpu.memory_space<vmem>> -> memref<1x96x512xf32, #tpu.memory_space<vmem>>
    %dma_start3A_217 = tpu.memref_squeeze %dma_start3A_216 : memref<1x96x512xf32, #tpu.memory_space<vmem>> -> memref<96x512xf32, #tpu.memory_space<vmem>>
    %dma_start3A_218 = arith.constant 480 : i32
    %dma_start3A_219 = tpu.memref_slice %arg5[%dma_start3A_218] : memref<576xi32, #tpu.memory_space<vmem>> -> memref<96xi32, #tpu.memory_space<vmem>>
    %dma_start3A_220 = arith.constant 0 : i32
    %dma_start3A_221 = arith.constant 0 : i32
    %dma_start3A_222 = tpu.memref_slice %arg2[%dma_start3A_220, %dma_start3A_221] : memref<1024x512xf32, #tpu.memory_space<hbm>> -> memref<1024x512xf32, #tpu.memory_space<hbm>>
    tpu.enqueue_indirect_dma source(%dma_start3A_222 : memref<1024x512xf32, #tpu.memory_space<hbm>>) target(%dma_start3A_217 : memref<96x512xf32, #tpu.memory_space<vmem>>) offsets(%dma_start3A_219 : memref<96xi32, #tpu.memory_space<vmem>>) semaphore(%arg7 : memref<!tpu.dma_semaphore, #tpu.memory_space<semaphore_mem>>)
    %add3A_223 = arith.constant 384 : i32
    %add3A_224 = arith.addi %mul3A_2, %add3A_223 : i32
    %dma_start3A_225 = arith.constant 0 : i32
    %dma_start3A_226 = arith.constant 0 : i32
    %dma_start3A_227 = arith.constant 0 : i32
    %dma_start3A_228 = tpu.memref_slice %arg6[%dma_start3A_225, %dma_start3A_226, %dma_start3A_227] : memref<2x96x512xf32, #tpu.memory_space<vmem>> -> memref<1x96x512xf32, #tpu.memory_space<vmem>>
    %dma_start3A_229 = tpu.memref_squeeze %dma_start3A_228 : memref<1x96x512xf32, #tpu.memory_space<vmem>> -> memref<96x512xf32, #tpu.memory_space<vmem>>
    %dma_start3A_230 = arith.constant 0 : i32
    %dma_start3A_231 = tpu.memref_slice %arg4[%add3A_224, %dma_start3A_230] : memref<18432x512xf32, #tpu.memory_space<hbm>> -> memref<96x512xf32, #tpu.memory_space<hbm>>
    %dma_start3A_232 = arith.constant 0 : i32
    %dma_start3A_233 = tpu.memref_slice %arg4[%add3A_224, %dma_start3A_232] : memref<18432x512xf32, #tpu.memory_space<hbm>> -> memref<96x512xf32, #tpu.memory_space<hbm>>
    %dma_start3A_234 = arith.constant 0 : i32
    %dma_start3A_235 = arith.constant 0 : i32
    %dma_start3A_236 = tpu.memref_slice %arg6[%dma_start3A_225, %dma_start3A_234, %dma_start3A_235] : memref<2x96x512xf32, #tpu.memory_space<vmem>> -> memref<1x96x512xf32, #tpu.memory_space<vmem>>
    %dma_start3A_237 = tpu.memref_squeeze %dma_start3A_236 : memref<1x96x512xf32, #tpu.memory_space<vmem>> -> memref<96x512xf32, #tpu.memory_space<vmem>>
    tpu.enqueue_dma source(%dma_start3A_237 : memref<96x512xf32, #tpu.memory_space<vmem>>) target(%dma_start3A_233 : memref<96x512xf32, #tpu.memory_space<hbm>>) target_semaphore(%arg8 : memref<!tpu.dma_semaphore, #tpu.memory_space<semaphore_mem>>)
    %dma_wait3A_238 = arith.constant 1 : i32
    %dma_wait3A_239 = arith.constant 0 : i32
    %dma_wait3A_240 = arith.constant 0 : i32
    %dma_wait3A_241 = tpu.memref_slice %arg6[%dma_wait3A_238, %dma_wait3A_239, %dma_wait3A_240] : memref<2x96x512xf32, #tpu.memory_space<vmem>> -> memref<1x96x512xf32, #tpu.memory_space<vmem>>
    %dma_wait3A_242 = tpu.memref_squeeze %dma_wait3A_241 : memref<1x96x512xf32, #tpu.memory_space<vmem>> -> memref<96x512xf32, #tpu.memory_space<vmem>>
    %dma_wait3A_243 = arith.constant 480 : i32
    %dma_wait3A_244 = tpu.memref_slice %arg5[%dma_wait3A_243] : memref<576xi32, #tpu.memory_space<vmem>> -> memref<96xi32, #tpu.memory_space<vmem>>
    %dma_wait3A_245 = arith.constant 0 : i32
    %dma_wait3A_246 = arith.constant 0 : i32
    %dma_wait3A_247 = tpu.memref_slice %arg2[%dma_wait3A_245, %dma_wait3A_246] : memref<1024x512xf32, #tpu.memory_space<hbm>> -> memref<1024x512xf32, #tpu.memory_space<hbm>>
    tpu.wait_indirect_dma semaphore(%arg7 : memref<!tpu.dma_semaphore, #tpu.memory_space<semaphore_mem>>) src(%dma_wait3A_247 : memref<1024x512xf32, #tpu.memory_space<hbm>>) dst(%dma_wait3A_242 : memref<96x512xf32, #tpu.memory_space<vmem>>)
    %add3A_248 = arith.constant 480 : i32
    %add3A_249 = arith.addi %mul3A_2, %add3A_248 : i32
    %dma_start3A_250 = arith.constant 1 : i32
    %dma_start3A_251 = arith.constant 0 : i32
    %dma_start3A_252 = arith.constant 0 : i32
    %dma_start3A_253 = tpu.memref_slice %arg6[%dma_start3A_250, %dma_start3A_251, %dma_start3A_252] : memref<2x96x512xf32, #tpu.memory_space<vmem>> -> memref<1x96x512xf32, #tpu.memory_space<vmem>>
    %dma_start3A_254 = tpu.memref_squeeze %dma_start3A_253 : memref<1x96x512xf32, #tpu.memory_space<vmem>> -> memref<96x512xf32, #tpu.memory_space<vmem>>
    %dma_start3A_255 = arith.constant 0 : i32
    %dma_start3A_256 = tpu.memref_slice %arg4[%add3A_249, %dma_start3A_255] : memref<18432x512xf32, #tpu.memory_space<hbm>> -> memref<96x512xf32, #tpu.memory_space<hbm>>
    %dma_start3A_257 = arith.constant 0 : i32
    %dma_start3A_258 = tpu.memref_slice %arg4[%add3A_249, %dma_start3A_257] : memref<18432x512xf32, #tpu.memory_space<hbm>> -> memref<96x512xf32, #tpu.memory_space<hbm>>
    %dma_start3A_259 = arith.constant 0 : i32
    %dma_start3A_260 = arith.constant 0 : i32
    %dma_start3A_261 = tpu.memref_slice %arg6[%dma_start3A_250, %dma_start3A_259, %dma_start3A_260] : memref<2x96x512xf32, #tpu.memory_space<vmem>> -> memref<1x96x512xf32, #tpu.memory_space<vmem>>
    %dma_start3A_262 = tpu.memref_squeeze %dma_start3A_261 : memref<1x96x512xf32, #tpu.memory_space<vmem>> -> memref<96x512xf32, #tpu.memory_space<vmem>>
    tpu.enqueue_dma source(%dma_start3A_262 : memref<96x512xf32, #tpu.memory_space<vmem>>) target(%dma_start3A_258 : memref<96x512xf32, #tpu.memory_space<hbm>>) target_semaphore(%arg8 : memref<!tpu.dma_semaphore, #tpu.memory_space<semaphore_mem>>)
    %dma_wait3A_263 = arith.constant 0 : i32
    %dma_wait3A_264 = arith.constant 0 : i32
    %dma_wait3A_265 = arith.constant 0 : i32
    %dma_wait3A_266 = tpu.memref_slice %arg6[%dma_wait3A_263, %dma_wait3A_264, %dma_wait3A_265] : memref<2x96x512xf32, #tpu.memory_space<vmem>> -> memref<1x96x512xf32, #tpu.memory_space<vmem>>
    %dma_wait3A_267 = tpu.memref_squeeze %dma_wait3A_266 : memref<1x96x512xf32, #tpu.memory_space<vmem>> -> memref<96x512xf32, #tpu.memory_space<vmem>>
    %dma_wait3A_268 = arith.constant 0 : i32
    %dma_wait3A_269 = tpu.memref_slice %arg4[%add3A_224, %dma_wait3A_268] : memref<18432x512xf32, #tpu.memory_space<hbm>> -> memref<96x512xf32, #tpu.memory_space<hbm>>
    %dma_wait3A_270 = arith.constant 0 : i32
    %dma_wait3A_271 = tpu.memref_slice %arg4[%add3A_224, %dma_wait3A_270] : memref<18432x512xf32, #tpu.memory_space<hbm>> -> memref<96x512xf32, #tpu.memory_space<hbm>>
    %dma_wait3A_272 = arith.constant 0 : i32
    %dma_wait3A_273 = arith.constant 0 : i32
    %dma_wait3A_274 = tpu.memref_slice %arg6[%dma_wait3A_263, %dma_wait3A_272, %dma_wait3A_273] : memref<2x96x512xf32, #tpu.memory_space<vmem>> -> memref<1x96x512xf32, #tpu.memory_space<vmem>>
    %dma_wait3A_275 = tpu.memref_squeeze %dma_wait3A_274 : memref<1x96x512xf32, #tpu.memory_space<vmem>> -> memref<96x512xf32, #tpu.memory_space<vmem>>
    tpu.wait_dma2 semaphore(%arg8 : memref<!tpu.dma_semaphore, #tpu.memory_space<semaphore_mem>>) src(%dma_wait3A_275 : memref<96x512xf32, #tpu.memory_space<vmem>>) dst(%dma_wait3A_271 : memref<96x512xf32, #tpu.memory_space<hbm>>)
    %dma_wait3A_276 = arith.constant 1 : i32
    %dma_wait3A_277 = arith.constant 0 : i32
    %dma_wait3A_278 = arith.constant 0 : i32
    %dma_wait3A_279 = tpu.memref_slice %arg6[%dma_wait3A_276, %dma_wait3A_277, %dma_wait3A_278] : memref<2x96x512xf32, #tpu.memory_space<vmem>> -> memref<1x96x512xf32, #tpu.memory_space<vmem>>
    %dma_wait3A_280 = tpu.memref_squeeze %dma_wait3A_279 : memref<1x96x512xf32, #tpu.memory_space<vmem>> -> memref<96x512xf32, #tpu.memory_space<vmem>>
    %dma_wait3A_281 = arith.constant 0 : i32
    %dma_wait3A_282 = tpu.memref_slice %arg4[%add3A_249, %dma_wait3A_281] : memref<18432x512xf32, #tpu.memory_space<hbm>> -> memref<96x512xf32, #tpu.memory_space<hbm>>
    %dma_wait3A_283 = arith.constant 0 : i32
    %dma_wait3A_284 = tpu.memref_slice %arg4[%add3A_249, %dma_wait3A_283] : memref<18432x512xf32, #tpu.memory_space<hbm>> -> memref<96x512xf32, #tpu.memory_space<hbm>>
    %dma_wait3A_285 = arith.constant 0 : i32
    %dma_wait3A_286 = arith.constant 0 : i32
    %dma_wait3A_287 = tpu.memref_slice %arg6[%dma_wait3A_276, %dma_wait3A_285, %dma_wait3A_286] : memref<2x96x512xf32, #tpu.memory_space<vmem>> -> memref<1x96x512xf32, #tpu.memory_space<vmem>>
    %dma_wait3A_288 = tpu.memref_squeeze %dma_wait3A_287 : memref<1x96x512xf32, #tpu.memory_space<vmem>> -> memref<96x512xf32, #tpu.memory_space<vmem>>
    tpu.wait_dma2 semaphore(%arg8 : memref<!tpu.dma_semaphore, #tpu.memory_space<semaphore_mem>>) src(%dma_wait3A_288 : memref<96x512xf32, #tpu.memory_space<vmem>>) dst(%dma_wait3A_284 : memref<96x512xf32, #tpu.memory_space<hbm>>)
    return
  }
}

module attributes {stable_mosaic.version = 14 : i64} {
  func.func @_pre_body(%arg0: memref<1024x256xf32, #tpu.memory_space<vmem>>, %arg1: memref<512x256xf32, #tpu.memory_space<vmem>>, %arg2: memref<1024x512xf32, #tpu.memory_space<vmem>>, %arg3: memref<256x1024xf32, #tpu.memory_space<vmem>>, %arg4: memref<1x1024xf32, #tpu.memory_space<vmem>>, %arg5: memref<1x1024xf32, #tpu.memory_space<vmem>>) attributes {dimension_semantics = [], scalar_prefetch = 0 : i64, scratch_operands = 0 : i64, tpu.core_type = #tpu.core_type<tc>} {
    %get3A = arith.constant 0 : index
    %get3A_0 = arith.constant 0 : index
    %get3A_1 = vector.load %arg0[%get3A, %get3A_0] : memref<1024x256xf32, #tpu.memory_space<vmem>>, vector<1024x256xf32>
    %get3A_2 = arith.constant 0 : index
    %get3A_3 = arith.constant 0 : index
    %get3A_4 = vector.load %arg1[%get3A_2, %get3A_3] : memref<512x256xf32, #tpu.memory_space<vmem>>, vector<512x256xf32>
    %dot_general3A = arith.constant dense<0.000000e+00> : vector<1024x512xf32>
    %dot_general3A_5 = tpu.matmul %get3A_1, %get3A_4, %dot_general3A {dimension_numbers = #tpu.dot_dimension_numbers<[1], [1], [0], [0], [0, 0, 1, 0], [], []>, transpose_lhs_hint = false} : vector<1024x256xf32>, vector<512x256xf32>, vector<1024x512xf32> -> vector<1024x512xf32>
    %swap3A = arith.constant 0 : index
    %swap3A_6 = arith.constant 0 : index
    %swap3A_7 = vector.load %arg2[%swap3A, %swap3A_6] : memref<1024x512xf32, #tpu.memory_space<vmem>>, vector<1024x512xf32>
    tpu.vector_store %arg2[%swap3A, %swap3A_6], %dot_general3A_5 {strides = array<i32>} : memref<1024x512xf32, #tpu.memory_space<vmem>>, vector<1024x512xf32>,
    %transpose3A = tpu.transpose %get3A_1, [1, 0] : vector<1024x256xf32> -> vector<256x1024xf32>
    %swap3A_8 = arith.constant 0 : index
    %swap3A_9 = arith.constant 0 : index
    %swap3A_10 = vector.load %arg3[%swap3A_8, %swap3A_9] : memref<256x1024xf32, #tpu.memory_space<vmem>>, vector<256x1024xf32>
    tpu.vector_store %arg3[%swap3A_8, %swap3A_9], %transpose3A {strides = array<i32>} : memref<256x1024xf32, #tpu.memory_space<vmem>>, vector<256x1024xf32>,
    %mul3A = arith.mulf %transpose3A, %transpose3A : vector<256x1024xf32>
    %reduce_sum3A = arith.constant dense<0.000000e+00> : vector<1024xf32>
    %reduce_sum3A_11 = vector.multi_reduction <add>, %mul3A, %reduce_sum3A [0] : vector<256x1024xf32> to vector<1024xf32>
    %broadcast_in_dim3A = vector.shape_cast %reduce_sum3A_11 : vector<1024xf32> to vector<1x1024xf32>
    %swap3A_12 = arith.constant 0 : index
    %swap3A_13 = arith.constant 0 : index
    %swap3A_14 = vector.load %arg4[%swap3A_12, %swap3A_13] : memref<1x1024xf32, #tpu.memory_space<vmem>>, vector<1x1024xf32>
    tpu.vector_store %arg4[%swap3A_12, %swap3A_13], %broadcast_in_dim3A {strides = array<i32>} : memref<1x1024xf32, #tpu.memory_space<vmem>>, vector<1x1024xf32>,
    %iota3A = tpu.iota {dimensions = array<i32: 1>} : vector<1x1024xi32>
    %convert_element_type3A = arith.sitofp %iota3A : vector<1x1024xi32> to vector<1x1024xf32>
    %swap3A_15 = arith.constant 0 : index
    %swap3A_16 = arith.constant 0 : index
    %swap3A_17 = vector.load %arg5[%swap3A_15, %swap3A_16] : memref<1x1024xf32, #tpu.memory_space<vmem>>, vector<1x1024xf32>
    tpu.vector_store %arg5[%swap3A_15, %swap3A_16], %convert_element_type3A {strides = array<i32>} : memref<1x1024xf32, #tpu.memory_space<vmem>>, vector<1x1024xf32>,
    return
  }
}

module attributes {stable_mosaic.version = 14 : i64} {
  func.func @_vq_body(%arg0: i32, %arg1: memref<1x2304x512xf32, #tpu.memory_space<vmem>>, %arg2: memref<256x512xf32, #tpu.memory_space<vmem>>, %arg3: memref<256x1024xf32, #tpu.memory_space<vmem>>, %arg4: memref<1x1024xf32, #tpu.memory_space<vmem>>, %arg5: memref<1x1024xf32, #tpu.memory_space<vmem>>, %arg6: memref<1x2304x256xf32, #tpu.memory_space<vmem>>, %arg7: memref<1x1x2304xi32, #tpu.memory_space<vmem>>, %arg8: memref<1x4x128xf32, #tpu.memory_space<vmem>>) attributes {dimension_semantics = [#tpu.dimension_semantics<arbitrary>], iteration_bounds = array<i64: 8>, scalar_prefetch = 0 : i64, scratch_operands = 0 : i64, tpu.core_type = #tpu.core_type<tc>, window_params = [{transform_indices = @transform_0, window_bounds = array<i64: 1, 2304, 512>}, {pipeline_mode = #tpu.pipeline_mode<synchronous>, transform_indices = @transform_1, window_bounds = array<i64: 256, 512>}, {pipeline_mode = #tpu.pipeline_mode<synchronous>, transform_indices = @transform_2, window_bounds = array<i64: 256, 1024>}, {pipeline_mode = #tpu.pipeline_mode<synchronous>, transform_indices = @transform_3, window_bounds = array<i64: 1, 1024>}, {pipeline_mode = #tpu.pipeline_mode<synchronous>, transform_indices = @transform_4, window_bounds = array<i64: 1, 1024>}, {transform_indices = @transform_5, window_bounds = array<i64: 1, 2304, 256>}, {transform_indices = @transform_6, window_bounds = array<i64: 1, 1, 2304>}, {transform_indices = @transform_7, window_bounds = array<i64: 1, 4, 128>}]} {
    %get3A = arith.constant 0 : index
    %get3A_0 = arith.constant 0 : index
    %get3A_1 = arith.constant 0 : index
    %get3A_2 = vector.load %arg1[%get3A, %get3A_0, %get3A_1] : memref<1x2304x512xf32, #tpu.memory_space<vmem>>, vector<1x2304x512xf32>
    %get3A_3 = vector.shape_cast %get3A_2 : vector<1x2304x512xf32> to vector<2304x512xf32>
    %get3A_4 = arith.constant 0 : index
    %get3A_5 = arith.constant 0 : index
    %get3A_6 = vector.load %arg2[%get3A_4, %get3A_5] : memref<256x512xf32, #tpu.memory_space<vmem>>, vector<256x512xf32>
    %dot_general3A = arith.constant dense<0.000000e+00> : vector<2304x256xf32>
    %dot_general3A_7 = tpu.matmul %get3A_3, %get3A_6, %dot_general3A {dimension_numbers = #tpu.dot_dimension_numbers<[1], [1], [0], [0], [0, 0, 1, 0], [], []>, transpose_lhs_hint = false} : vector<2304x512xf32>, vector<256x512xf32>, vector<2304x256xf32> -> vector<2304x256xf32>
    %swap3A = arith.constant 0 : index
    %swap3A_8 = arith.constant 0 : index
    %swap3A_9 = arith.constant 0 : index
    %swap3A_10 = vector.load %arg6[%swap3A, %swap3A_8, %swap3A_9] : memref<1x2304x256xf32, #tpu.memory_space<vmem>>, vector<1x2304x256xf32>
    %swap3A_11 = vector.shape_cast %swap3A_10 : vector<1x2304x256xf32> to vector<2304x256xf32>
    %swap3A_12 = vector.shape_cast %dot_general3A_7 : vector<2304x256xf32> to vector<1x2304x256xf32>
    tpu.vector_store %arg6[%swap3A, %swap3A_8, %swap3A_9], %swap3A_12 {strides = array<i32>} : memref<1x2304x256xf32, #tpu.memory_space<vmem>>, vector<1x2304x256xf32>,
    %slice3A = vector.extract_strided_slice %dot_general3A_7 {offsets = [0, 0], sizes = [576, 256], strides = [1, 1]} : vector<2304x256xf32> to vector<576x256xf32>
    %get3A_13 = arith.constant 0 : index
    %get3A_14 = arith.constant 0 : index
    %get3A_15 = vector.load %arg3[%get3A_13, %get3A_14] : memref<256x1024xf32, #tpu.memory_space<vmem>>, vector<256x1024xf32>
    %dot_general3A_16 = arith.constant dense<0.000000e+00> : vector<576x1024xf32>
    %dot_general3A_17 = tpu.matmul %slice3A, %get3A_15, %dot_general3A_16 {dimension_numbers = #tpu.dot_dimension_numbers<[1], [0], [0], [1], [0, 0, 1, 1], [], []>, transpose_lhs_hint = false} : vector<576x256xf32>, vector<256x1024xf32>, vector<576x1024xf32> -> vector<576x1024xf32>
    %mul3A = arith.mulf %slice3A, %slice3A : vector<576x256xf32>
    %reduce_sum3A = arith.constant dense<0.000000e+00> : vector<576xf32>
    %reduce_sum3A_18 = vector.multi_reduction <add>, %mul3A, %reduce_sum3A [1] : vector<576x256xf32> to vector<576xf32>
    %broadcast_in_dim3A = vector.shape_cast %reduce_sum3A_18 : vector<576xf32> to vector<576x1xf32>
    %mul3A_19 = arith.constant 2.000000e+00 : f32
    %mul3A_20 = vector.broadcast %mul3A_19 : f32 to vector<576x1024xf32>
    %mul3A_21 = arith.mulf %mul3A_20, %dot_general3A_17 : vector<576x1024xf32>
    %sub3A = vector.broadcast %broadcast_in_dim3A : vector<576x1xf32> to vector<576x1024xf32>
    %sub3A_22 = arith.subf %sub3A, %mul3A_21 : vector<576x1024xf32>
    %get3A_23 = arith.constant 0 : index
    %get3A_24 = arith.constant 0 : index
    %get3A_25 = vector.load %arg4[%get3A_23, %get3A_24] : memref<1x1024xf32, #tpu.memory_space<vmem>>, vector<1x1024xf32>
    %add3A = vector.broadcast %get3A_25 : vector<1x1024xf32> to vector<576x1024xf32>
    %add3A_26 = arith.addf %sub3A_22, %add3A : vector<576x1024xf32>
    %reduce_min3A = arith.constant dense<0x7F800000> : vector<576xf32>
    %reduce_min3A_27 = vector.multi_reduction <minimumf>, %add3A_26, %reduce_min3A [1] : vector<576x1024xf32> to vector<576xf32>
    %broadcast_in_dim3A_28 = vector.shape_cast %reduce_min3A_27 : vector<576xf32> to vector<576x1xf32>
    %le3A = vector.broadcast %broadcast_in_dim3A_28 : vector<576x1xf32> to vector<576x1024xf32>
    %le3A_29 = arith.cmpf ole, %add3A_26, %le3A : vector<576x1024xf32>
    %get3A_30 = arith.constant 0 : index
    %get3A_31 = arith.constant 0 : index
    %get3A_32 = vector.load %arg5[%get3A_30, %get3A_31] : memref<1x1024xf32, #tpu.memory_space<vmem>>, vector<1x1024xf32>
    %jit3A = arith.constant 1.024000e+03 : f32
    %broadcast_in_dim3A_33 = vector.shape_cast %get3A_32 : vector<1x1024xf32> to vector<1x1024xf32>
    %broadcast_in_dim3A_34 = vector.broadcast %broadcast_in_dim3A_33 : vector<1x1024xf32> to vector<576x1024xf32>
    %broadcast_in_dim3A_35 = vector.broadcast %jit3A : f32 to vector<576x1024xf32>
    %select_n3A = arith.select %le3A_29, %broadcast_in_dim3A_34, %broadcast_in_dim3A_35 : vector<576x1024xi1>, vector<576x1024xf32>
    %reduce_min3A_36 = arith.constant dense<0x7F800000> : vector<576xf32>
    %reduce_min3A_37 = vector.multi_reduction <minimumf>, %select_n3A, %reduce_min3A_36 [1] : vector<576x1024xf32> to vector<576xf32>
    %convert_element_type3A = arith.fptosi %reduce_min3A_37 : vector<576xf32> to vector<576xi32>
    %swap3A_38 = arith.constant 0 : index
    %swap3A_39 = arith.constant 0 : index
    %swap3A_40 = arith.constant 0 : index
    %swap3A_41 = vector.load %arg7[%swap3A_38, %swap3A_39, %swap3A_40] : memref<1x1x2304xi32, #tpu.memory_space<vmem>>, vector<1x1x576xi32>
    %swap3A_42 = vector.shape_cast %swap3A_41 : vector<1x1x576xi32> to vector<576xi32>
    %swap3A_43 = vector.shape_cast %convert_element_type3A : vector<576xi32> to vector<1x1x576xi32>
    tpu.vector_store %arg7[%swap3A_38, %swap3A_39, %swap3A_40], %swap3A_43 {strides = array<i32>} : memref<1x1x2304xi32, #tpu.memory_space<vmem>>, vector<1x1x576xi32>,
    %slice3A_44 = vector.extract_strided_slice %dot_general3A_7 {offsets = [576, 0], sizes = [576, 256], strides = [1, 1]} : vector<2304x256xf32> to vector<576x256xf32>
    %get3A_45 = arith.constant 0 : index
    %get3A_46 = arith.constant 0 : index
    %get3A_47 = vector.load %arg3[%get3A_45, %get3A_46] : memref<256x1024xf32, #tpu.memory_space<vmem>>, vector<256x1024xf32>
    %dot_general3A_48 = arith.constant dense<0.000000e+00> : vector<576x1024xf32>
    %dot_general3A_49 = tpu.matmul %slice3A_44, %get3A_47, %dot_general3A_48 {dimension_numbers = #tpu.dot_dimension_numbers<[1], [0], [0], [1], [0, 0, 1, 1], [], []>, transpose_lhs_hint = false} : vector<576x256xf32>, vector<256x1024xf32>, vector<576x1024xf32> -> vector<576x1024xf32>
    %mul3A_50 = arith.mulf %slice3A_44, %slice3A_44 : vector<576x256xf32>
    %reduce_sum3A_51 = arith.constant dense<0.000000e+00> : vector<576xf32>
    %reduce_sum3A_52 = vector.multi_reduction <add>, %mul3A_50, %reduce_sum3A_51 [1] : vector<576x256xf32> to vector<576xf32>
    %broadcast_in_dim3A_53 = vector.shape_cast %reduce_sum3A_52 : vector<576xf32> to vector<576x1xf32>
    %mul3A_54 = arith.constant 2.000000e+00 : f32
    %mul3A_55 = vector.broadcast %mul3A_54 : f32 to vector<576x1024xf32>
    %mul3A_56 = arith.mulf %mul3A_55, %dot_general3A_49 : vector<576x1024xf32>
    %sub3A_57 = vector.broadcast %broadcast_in_dim3A_53 : vector<576x1xf32> to vector<576x1024xf32>
    %sub3A_58 = arith.subf %sub3A_57, %mul3A_56 : vector<576x1024xf32>
    %get3A_59 = arith.constant 0 : index
    %get3A_60 = arith.constant 0 : index
    %get3A_61 = vector.load %arg4[%get3A_59, %get3A_60] : memref<1x1024xf32, #tpu.memory_space<vmem>>, vector<1x1024xf32>
    %add3A_62 = vector.broadcast %get3A_61 : vector<1x1024xf32> to vector<576x1024xf32>
    %add3A_63 = arith.addf %sub3A_58, %add3A_62 : vector<576x1024xf32>
    %reduce_min3A_64 = arith.constant dense<0x7F800000> : vector<576xf32>
    %reduce_min3A_65 = vector.multi_reduction <minimumf>, %add3A_63, %reduce_min3A_64 [1] : vector<576x1024xf32> to vector<576xf32>
    %broadcast_in_dim3A_66 = vector.shape_cast %reduce_min3A_65 : vector<576xf32> to vector<576x1xf32>
    %le3A_67 = vector.broadcast %broadcast_in_dim3A_66 : vector<576x1xf32> to vector<576x1024xf32>
    %le3A_68 = arith.cmpf ole, %add3A_63, %le3A_67 : vector<576x1024xf32>
    %get3A_69 = arith.constant 0 : index
    %get3A_70 = arith.constant 0 : index
    %get3A_71 = vector.load %arg5[%get3A_69, %get3A_70] : memref<1x1024xf32, #tpu.memory_space<vmem>>, vector<1x1024xf32>
    %jit3A_72 = arith.constant 1.024000e+03 : f32
    %broadcast_in_dim3A_73 = vector.shape_cast %get3A_71 : vector<1x1024xf32> to vector<1x1024xf32>
    %broadcast_in_dim3A_74 = vector.broadcast %broadcast_in_dim3A_73 : vector<1x1024xf32> to vector<576x1024xf32>
    %broadcast_in_dim3A_75 = vector.broadcast %jit3A_72 : f32 to vector<576x1024xf32>
    %select_n3A_76 = arith.select %le3A_68, %broadcast_in_dim3A_74, %broadcast_in_dim3A_75 : vector<576x1024xi1>, vector<576x1024xf32>
    %reduce_min3A_77 = arith.constant dense<0x7F800000> : vector<576xf32>
    %reduce_min3A_78 = vector.multi_reduction <minimumf>, %select_n3A_76, %reduce_min3A_77 [1] : vector<576x1024xf32> to vector<576xf32>
    %convert_element_type3A_79 = arith.fptosi %reduce_min3A_78 : vector<576xf32> to vector<576xi32>
    %swap3A_80 = arith.constant 0 : index
    %swap3A_81 = arith.constant 0 : index
    %swap3A_82 = arith.constant 576 : index
    %swap3A_83 = vector.load %arg7[%swap3A_80, %swap3A_81, %swap3A_82] : memref<1x1x2304xi32, #tpu.memory_space<vmem>>, vector<1x1x576xi32>
    %swap3A_84 = vector.shape_cast %swap3A_83 : vector<1x1x576xi32> to vector<576xi32>
    %swap3A_85 = vector.shape_cast %convert_element_type3A_79 : vector<576xi32> to vector<1x1x576xi32>
    tpu.vector_store %arg7[%swap3A_80, %swap3A_81, %swap3A_82], %swap3A_85 {strides = array<i32>} : memref<1x1x2304xi32, #tpu.memory_space<vmem>>, vector<1x1x576xi32>,
    %slice3A_86 = vector.extract_strided_slice %dot_general3A_7 {offsets = [1152, 0], sizes = [576, 256], strides = [1, 1]} : vector<2304x256xf32> to vector<576x256xf32>
    %get3A_87 = arith.constant 0 : index
    %get3A_88 = arith.constant 0 : index
    %get3A_89 = vector.load %arg3[%get3A_87, %get3A_88] : memref<256x1024xf32, #tpu.memory_space<vmem>>, vector<256x1024xf32>
    %dot_general3A_90 = arith.constant dense<0.000000e+00> : vector<576x1024xf32>
    %dot_general3A_91 = tpu.matmul %slice3A_86, %get3A_89, %dot_general3A_90 {dimension_numbers = #tpu.dot_dimension_numbers<[1], [0], [0], [1], [0, 0, 1, 1], [], []>, transpose_lhs_hint = false} : vector<576x256xf32>, vector<256x1024xf32>, vector<576x1024xf32> -> vector<576x1024xf32>
    %mul3A_92 = arith.mulf %slice3A_86, %slice3A_86 : vector<576x256xf32>
    %reduce_sum3A_93 = arith.constant dense<0.000000e+00> : vector<576xf32>
    %reduce_sum3A_94 = vector.multi_reduction <add>, %mul3A_92, %reduce_sum3A_93 [1] : vector<576x256xf32> to vector<576xf32>
    %broadcast_in_dim3A_95 = vector.shape_cast %reduce_sum3A_94 : vector<576xf32> to vector<576x1xf32>
    %mul3A_96 = arith.constant 2.000000e+00 : f32
    %mul3A_97 = vector.broadcast %mul3A_96 : f32 to vector<576x1024xf32>
    %mul3A_98 = arith.mulf %mul3A_97, %dot_general3A_91 : vector<576x1024xf32>
    %sub3A_99 = vector.broadcast %broadcast_in_dim3A_95 : vector<576x1xf32> to vector<576x1024xf32>
    %sub3A_100 = arith.subf %sub3A_99, %mul3A_98 : vector<576x1024xf32>
    %get3A_101 = arith.constant 0 : index
    %get3A_102 = arith.constant 0 : index
    %get3A_103 = vector.load %arg4[%get3A_101, %get3A_102] : memref<1x1024xf32, #tpu.memory_space<vmem>>, vector<1x1024xf32>
    %add3A_104 = vector.broadcast %get3A_103 : vector<1x1024xf32> to vector<576x1024xf32>
    %add3A_105 = arith.addf %sub3A_100, %add3A_104 : vector<576x1024xf32>
    %reduce_min3A_106 = arith.constant dense<0x7F800000> : vector<576xf32>
    %reduce_min3A_107 = vector.multi_reduction <minimumf>, %add3A_105, %reduce_min3A_106 [1] : vector<576x1024xf32> to vector<576xf32>
    %broadcast_in_dim3A_108 = vector.shape_cast %reduce_min3A_107 : vector<576xf32> to vector<576x1xf32>
    %le3A_109 = vector.broadcast %broadcast_in_dim3A_108 : vector<576x1xf32> to vector<576x1024xf32>
    %le3A_110 = arith.cmpf ole, %add3A_105, %le3A_109 : vector<576x1024xf32>
    %get3A_111 = arith.constant 0 : index
    %get3A_112 = arith.constant 0 : index
    %get3A_113 = vector.load %arg5[%get3A_111, %get3A_112] : memref<1x1024xf32, #tpu.memory_space<vmem>>, vector<1x1024xf32>
    %jit3A_114 = arith.constant 1.024000e+03 : f32
    %broadcast_in_dim3A_115 = vector.shape_cast %get3A_113 : vector<1x1024xf32> to vector<1x1024xf32>
    %broadcast_in_dim3A_116 = vector.broadcast %broadcast_in_dim3A_115 : vector<1x1024xf32> to vector<576x1024xf32>
    %broadcast_in_dim3A_117 = vector.broadcast %jit3A_114 : f32 to vector<576x1024xf32>
    %select_n3A_118 = arith.select %le3A_110, %broadcast_in_dim3A_116, %broadcast_in_dim3A_117 : vector<576x1024xi1>, vector<576x1024xf32>
    %reduce_min3A_119 = arith.constant dense<0x7F800000> : vector<576xf32>
    %reduce_min3A_120 = vector.multi_reduction <minimumf>, %select_n3A_118, %reduce_min3A_119 [1] : vector<576x1024xf32> to vector<576xf32>
    %convert_element_type3A_121 = arith.fptosi %reduce_min3A_120 : vector<576xf32> to vector<576xi32>
    %swap3A_122 = arith.constant 0 : index
    %swap3A_123 = arith.constant 0 : index
    %swap3A_124 = arith.constant 1152 : index
    %swap3A_125 = vector.load %arg7[%swap3A_122, %swap3A_123, %swap3A_124] : memref<1x1x2304xi32, #tpu.memory_space<vmem>>, vector<1x1x576xi32>
    %swap3A_126 = vector.shape_cast %swap3A_125 : vector<1x1x576xi32> to vector<576xi32>
    %swap3A_127 = vector.shape_cast %convert_element_type3A_121 : vector<576xi32> to vector<1x1x576xi32>
    tpu.vector_store %arg7[%swap3A_122, %swap3A_123, %swap3A_124], %swap3A_127 {strides = array<i32>} : memref<1x1x2304xi32, #tpu.memory_space<vmem>>, vector<1x1x576xi32>,
    %slice3A_128 = vector.extract_strided_slice %dot_general3A_7 {offsets = [1728, 0], sizes = [576, 256], strides = [1, 1]} : vector<2304x256xf32> to vector<576x256xf32>
    %get3A_129 = arith.constant 0 : index
    %get3A_130 = arith.constant 0 : index
    %get3A_131 = vector.load %arg3[%get3A_129, %get3A_130] : memref<256x1024xf32, #tpu.memory_space<vmem>>, vector<256x1024xf32>
    %dot_general3A_132 = arith.constant dense<0.000000e+00> : vector<576x1024xf32>
    %dot_general3A_133 = tpu.matmul %slice3A_128, %get3A_131, %dot_general3A_132 {dimension_numbers = #tpu.dot_dimension_numbers<[1], [0], [0], [1], [0, 0, 1, 1], [], []>, transpose_lhs_hint = false} : vector<576x256xf32>, vector<256x1024xf32>, vector<576x1024xf32> -> vector<576x1024xf32>
    %mul3A_134 = arith.mulf %slice3A_128, %slice3A_128 : vector<576x256xf32>
    %reduce_sum3A_135 = arith.constant dense<0.000000e+00> : vector<576xf32>
    %reduce_sum3A_136 = vector.multi_reduction <add>, %mul3A_134, %reduce_sum3A_135 [1] : vector<576x256xf32> to vector<576xf32>
    %broadcast_in_dim3A_137 = vector.shape_cast %reduce_sum3A_136 : vector<576xf32> to vector<576x1xf32>
    %mul3A_138 = arith.constant 2.000000e+00 : f32
    %mul3A_139 = vector.broadcast %mul3A_138 : f32 to vector<576x1024xf32>
    %mul3A_140 = arith.mulf %mul3A_139, %dot_general3A_133 : vector<576x1024xf32>
    %sub3A_141 = vector.broadcast %broadcast_in_dim3A_137 : vector<576x1xf32> to vector<576x1024xf32>
    %sub3A_142 = arith.subf %sub3A_141, %mul3A_140 : vector<576x1024xf32>
    %get3A_143 = arith.constant 0 : index
    %get3A_144 = arith.constant 0 : index
    %get3A_145 = vector.load %arg4[%get3A_143, %get3A_144] : memref<1x1024xf32, #tpu.memory_space<vmem>>, vector<1x1024xf32>
    %add3A_146 = vector.broadcast %get3A_145 : vector<1x1024xf32> to vector<576x1024xf32>
    %add3A_147 = arith.addf %sub3A_142, %add3A_146 : vector<576x1024xf32>
    %reduce_min3A_148 = arith.constant dense<0x7F800000> : vector<576xf32>
    %reduce_min3A_149 = vector.multi_reduction <minimumf>, %add3A_147, %reduce_min3A_148 [1] : vector<576x1024xf32> to vector<576xf32>
    %broadcast_in_dim3A_150 = vector.shape_cast %reduce_min3A_149 : vector<576xf32> to vector<576x1xf32>
    %le3A_151 = vector.broadcast %broadcast_in_dim3A_150 : vector<576x1xf32> to vector<576x1024xf32>
    %le3A_152 = arith.cmpf ole, %add3A_147, %le3A_151 : vector<576x1024xf32>
    %get3A_153 = arith.constant 0 : index
    %get3A_154 = arith.constant 0 : index
    %get3A_155 = vector.load %arg5[%get3A_153, %get3A_154] : memref<1x1024xf32, #tpu.memory_space<vmem>>, vector<1x1024xf32>
    %jit3A_156 = arith.constant 1.024000e+03 : f32
    %broadcast_in_dim3A_157 = vector.shape_cast %get3A_155 : vector<1x1024xf32> to vector<1x1024xf32>
    %broadcast_in_dim3A_158 = vector.broadcast %broadcast_in_dim3A_157 : vector<1x1024xf32> to vector<576x1024xf32>
    %broadcast_in_dim3A_159 = vector.broadcast %jit3A_156 : f32 to vector<576x1024xf32>
    %select_n3A_160 = arith.select %le3A_152, %broadcast_in_dim3A_158, %broadcast_in_dim3A_159 : vector<576x1024xi1>, vector<576x1024xf32>
    %reduce_min3A_161 = arith.constant dense<0x7F800000> : vector<576xf32>
    %reduce_min3A_162 = vector.multi_reduction <minimumf>, %select_n3A_160, %reduce_min3A_161 [1] : vector<576x1024xf32> to vector<576xf32>
    %convert_element_type3A_163 = arith.fptosi %reduce_min3A_162 : vector<576xf32> to vector<576xi32>
    %swap3A_164 = arith.constant 0 : index
    %swap3A_165 = arith.constant 0 : index
    %swap3A_166 = arith.constant 1728 : index
    %swap3A_167 = vector.load %arg7[%swap3A_164, %swap3A_165, %swap3A_166] : memref<1x1x2304xi32, #tpu.memory_space<vmem>>, vector<1x1x576xi32>
    %swap3A_168 = vector.shape_cast %swap3A_167 : vector<1x1x576xi32> to vector<576xi32>
    %swap3A_169 = vector.shape_cast %convert_element_type3A_163 : vector<576xi32> to vector<1x1x576xi32>
    tpu.vector_store %arg7[%swap3A_164, %swap3A_165, %swap3A_166], %swap3A_169 {strides = array<i32>} : memref<1x1x2304xi32, #tpu.memory_space<vmem>>, vector<1x1x576xi32>,
    %concatenate3A = tpu.concatenate %broadcast_in_dim3A_28, %broadcast_in_dim3A_66, %broadcast_in_dim3A_108, %broadcast_in_dim3A_150 in 0 : vector<576x1xf32>, vector<576x1xf32>, vector<576x1xf32>, vector<576x1xf32> -> vector<2304x1xf32>
    %iota3A = tpu.iota {dimensions = array<i32: 0>} : vector<4x2304xi32>
    %iota3A_170 = tpu.iota {dimensions = array<i32: 1>} : vector<4x2304xi32>
    %mul3A_171 = arith.constant 576 : i32
    %mul3A_172 = vector.broadcast %mul3A_171 : i32 to vector<4x2304xi32>
    %mul3A_173 = arith.muli %iota3A, %mul3A_172 : vector<4x2304xi32>
    %ge3A = arith.cmpi sge, %iota3A_170, %mul3A_173 : vector<4x2304xi32>
    %add3A_174 = arith.constant 576 : i32
    %add3A_175 = vector.broadcast %add3A_174 : i32 to vector<4x2304xi32>
    %add3A_176 = arith.addi %mul3A_173, %add3A_175 : vector<4x2304xi32>
    %lt3A = arith.cmpi slt, %iota3A_170, %add3A_176 : vector<4x2304xi32>
    %and3A = arith.andi %ge3A, %lt3A : vector<4x2304xi1>
    %convert_element_type3A_177 = arith.extui %and3A : vector<4x2304xi1> to vector<4x2304xi32>
    %convert_element_type3A_178 = arith.sitofp %convert_element_type3A_177 : vector<4x2304xi32> to vector<4x2304xf32>
    %dot_general3A_179 = arith.constant dense<0.000000e+00> : vector<4x1xf32>
    %dot_general3A_180 = tpu.matmul %convert_element_type3A_178, %concatenate3A, %dot_general3A_179 {dimension_numbers = #tpu.dot_dimension_numbers<[1], [0], [0], [1], [0, 0, 1, 1], [], []>, transpose_lhs_hint = false} : vector<4x2304xf32>, vector<2304x1xf32>, vector<4x1xf32> -> vector<4x1xf32>
    %mul3A_181 = arith.constant 6.78168407E-6 : f32
    %mul3A_182 = vector.broadcast %mul3A_181 : f32 to vector<4x1xf32>
    %mul3A_183 = arith.mulf %dot_general3A_180, %mul3A_182 : vector<4x1xf32>
    %broadcast_in_dim3A_184 = vector.shape_cast %mul3A_183 : vector<4x1xf32> to vector<4x1xf32>
    %broadcast_in_dim3A_185 = vector.broadcast %broadcast_in_dim3A_184 : vector<4x1xf32> to vector<4x128xf32>
    %swap3A_186 = arith.constant 0 : index
    %swap3A_187 = arith.constant 0 : index
    %swap3A_188 = arith.constant 0 : index
    %swap3A_189 = vector.load %arg8[%swap3A_186, %swap3A_187, %swap3A_188] : memref<1x4x128xf32, #tpu.memory_space<vmem>>, vector<1x4x128xf32>
    %swap3A_190 = vector.shape_cast %swap3A_189 : vector<1x4x128xf32> to vector<4x128xf32>
    %swap3A_191 = vector.shape_cast %broadcast_in_dim3A_185 : vector<4x128xf32> to vector<1x4x128xf32>
    tpu.vector_store %arg8[%swap3A_186, %swap3A_187, %swap3A_188], %swap3A_191 {strides = array<i32>} : memref<1x4x128xf32, #tpu.memory_space<vmem>>, vector<1x4x128xf32>,
    return
  }
  func.func @transform_0(%arg0: i32) -> (i32, i32, i32) {
    %c0_i32 = arith.constant 0 : i32
    %c0_i32_0 = arith.constant 0 : i32
    %c0_i32_1 = arith.constant 0 : i32
    return %arg0, %c0_i32, %c0_i32_0 : i32, i32, i32
  }
  func.func @transform_1(%arg0: i32) -> (i32, i32) {
    %c0_i32 = arith.constant 0 : i32
    %c0_i32_0 = arith.constant 0 : i32
    %c0_i32_1 = arith.constant 0 : i32
    return %c0_i32, %c0_i32_0 : i32, i32
  }
  func.func @transform_2(%arg0: i32) -> (i32, i32) {
    %c0_i32 = arith.constant 0 : i32
    %c0_i32_0 = arith.constant 0 : i32
    %c0_i32_1 = arith.constant 0 : i32
    return %c0_i32, %c0_i32_0 : i32, i32
  }
  func.func @transform_3(%arg0: i32) -> (i32, i32) {
    %c0_i32 = arith.constant 0 : i32
    %c0_i32_0 = arith.constant 0 : i32
    %c0_i32_1 = arith.constant 0 : i32
    return %c0_i32, %c0_i32_0 : i32, i32
  }
  func.func @transform_4(%arg0: i32) -> (i32, i32) {
    %c0_i32 = arith.constant 0 : i32
    %c0_i32_0 = arith.constant 0 : i32
    %c0_i32_1 = arith.constant 0 : i32
    return %c0_i32, %c0_i32_0 : i32, i32
  }
  func.func @transform_5(%arg0: i32) -> (i32, i32, i32) {
    %c0_i32 = arith.constant 0 : i32
    %c0_i32_0 = arith.constant 0 : i32
    %c0_i32_1 = arith.constant 0 : i32
    return %arg0, %c0_i32, %c0_i32_0 : i32, i32, i32
  }
  func.func @transform_6(%arg0: i32) -> (i32, i32, i32) {
    %c0_i32 = arith.constant 0 : i32
    %c0_i32_0 = arith.constant 0 : i32
    %c0_i32_1 = arith.constant 0 : i32
    return %arg0, %c0_i32, %c0_i32_0 : i32, i32, i32
  }
  func.func @transform_7(%arg0: i32) -> (i32, i32, i32) {
    %c0_i32 = arith.constant 0 : i32
    %c0_i32_0 = arith.constant 0 : i32
    %c0_i32_1 = arith.constant 0 : i32
    return %arg0, %c0_i32, %c0_i32_0 : i32, i32, i32
  }
}

</mosaic_0001>

<sc_bundles>
// kernel: kernel.5.cloned.1.call-start
scs
__scs_entry_jumppad:
0x0: {  	(pc) =	sbr.rel $0x88, $3  }
0x1: {  	(tag) =	ssettag $0x0;
	lr =	simm.s32 $0x1  }
0x2: {  	[smem:$0x3F9D] =	sst lr;
	_ =	strace $0xD0000000  }
0x3: {  	_ = 	snop  }
0x4: {  	_ = 	snop  }
0x5: {  	_ = 	snop  }
0x6: {  	_ = 	snop  }
0x7: {  	_ = 	snop  }
__scs_overlays_trampoline_lowered:
0x8: {  	[smem:$0x3FAC] =	sst s0  }
0x9: {  	[smem:$0x3FAD] =	sst s1  }
0xa: {  	[smem:$0x3FAE] =	sst s2  }
0xb: {  	[smem:$0x3FAF] =	sst s3  }
0xc: {  	[smem:$0x3FB0] =	sst s4  }
0xd: {  	[smem:$0x3FB1] =	sst s5  }
0xe: {  	[smem:$0x3FB2] =	sst s6  }
0xf: {  	[smem:$0x3FB3] =	sst s7  }
0x10: {  	[smem:$0x3FB4] =	sst s8  }
0x11: {  	[smem:$0x3FB5] =	sst s9;
	s0 =	simm.s32 @!p0 $0x0  }
0x12: {  	s1 =	sld [smem:$0x3F9B];
	s0 =	simm.s32 @p0 $0x1  }
0x13: {  	[smem:$0x3FB6] =	sst s0;
	s0 =	simm.s32 @!p1 $0x0  }
0x14: {  	s2 =	sld [smem:$0x3F9A];
	s0 =	simm.s32 @p1 $0x1  }
0x15: {  	[smem:$0x3FB7] =	sst s0;
	s0 =	simm.s32 @!p2 $0x0  }
0x16: {  	s3 =	sld [smem:$0x3FDB];
	s0 =	simm.s32 @p2 $0x1  }
0x17: {  	s4 =	simm.s32 $0x1BF5;
	[smem:$0x3FB9] =	sst s0  }
0x18: {  	s0 =	sld [smem:$0x3F9C];
	_ =	swait.ge [sflag:s4], $0x0  }
0x19: {  	s7 =	sld [smem:$0x3F9D]  }
0x1a: {  	s8 =	sadd.s32 $0xFFFFE003, lr  }
0x1b: {  	s9 =	sadd.s32 $0xFFFFFEF7, lr;
	s5 =	simm.s32 $0xFFFFFFFF;
	p2 =	slt.u32 s8, $0xFFFFF086  }
0x1c: {  	p1 =	slt.u32 s9, $0xF7A;
	s5 =	simm.s32 @!p2 $0x0  }
0x1d: {  	s5 =	simm.s32 @p1 $0x1;
	p0 =	seq.s32 s7, s2  }
0x1e: {  	s7 =	smul.u32 @!p0 $0xF7A, s2;
	p2 =	seq.s32 @!p0 s5, $0x0  }
0x1f: {  	s9 =	smul.u32 $0xF7A, s1;
	s8 =	simm.s32 @!p0 $0x1BF5;
	p2 =	por !p2, p0  }
0x20: {  	[sflag:s8] =	ssyncset.s32 @!p0 $0xFFFFF086;
	s6 =	sadd.s32 @!p0 s3, s7;
	s7 =	simm.s32 @!p0 $0x108  }
0x21: {  	s3 =	sadd.s32 s3, s9;
	s6 =	sadd.s32 @!p0 $0x88, s6;
	s7 =	simm.s32 @p2 $0x1082  }
0x22: {  	[simem:s7], [sflag:s8] =	dma.local @!p0 [hbm:s6], $0xF7A  }
0x23: {  	s9 =	sor.u32 $0xD0000000, s2;
	s6 =	simm.s32 $0x108;
	_ =	swait.ge @!p0 [sflag:s8], $0x0  }
0x24: {  	s3 =	sadd.s32 $0x88, s3;
	s6 =	simm.s32 @!p1 $0x1082;
	[sflag:s4] =	ssyncset.s32 $0xFFFFF086  }
0x25: {  	[simem:s6], [sflag:s4] =	dma.local [hbm:s3], $0xF7A  }
0x26: {  	[smem:$0x3F9D] =	sst s1;
	(tag) =	ssettag s2;
	_ =	strace s9  }
0x27: {  	s1 =	sld [smem:$0x3FAD]  }
0x28: {  	s2 =	sld [smem:$0x3FAE]  }
0x29: {  	s4 =	sld [smem:$0x3FB0]  }
0x2a: {  	p0 =	seq.s32 s5, $0x0;
	s5 =	sld [smem:$0x3FB1]  }
0x2b: {  	s6 =	sld [smem:$0x3FB2]  }
0x2c: {  	s7 =	sld [smem:$0x3FB3]  }
0x2d: {  	s3 =	simm.s32 $0x108;
	s8 =	sld [smem:$0x3FB4]  }
0x2e: {  	s3 =	simm.s32 @!p0 $0x1082;
	s9 =	sld [smem:$0x3FB5]  }
0x2f: {  	lr =	sadd.s32 s0, s3;
	s0 =	sld [smem:$0x3FAC]  }
0x30: {  	s3 =	sld [smem:$0x3FAF]  }
0x31: {  	[smem:$0x3FB8] =	sst s10  }
0x32: {  	s10 =	sld [smem:$0x3FB6];
	_ =	sdelay $0x3  }
0x33: {  	p0 =	seq.s32 s10, $0x1;
	s10 =	sld [smem:$0x3FB8];
	_ =	sdelay $0x3  }
0x34: {  	[smem:$0x3FB8] =	sst s10  }
0x35: {  	s10 =	sld [smem:$0x3FB7];
	_ =	sdelay $0x3  }
0x36: {  	p1 =	seq.s32 s10, $0x1;
	s10 =	sld [smem:$0x3FB8];
	_ =	sdelay $0x3  }
0x37: {  	[smem:$0x3FB8] =	sst s10  }
0x38: {  	s10 =	sld [smem:$0x3FB9]  }
0x39: {  	_ = 	snop;
	(pc) =	sbr.ind lr, $3  }
0x3a: {  	_ = 	snop  }
0x3b: {  	_ = 	snop  }
0x3c: {  	p2 =	seq.s32 s10, $0x1;
	s10 =	sld [smem:$0x3FB8]  }
0x3d: {  	_ =	shalt  }
0x3e: {  	_ =	shalt  }
0x3f: {  	_ =	shalt  }
0x40: {  	_ =	shalt  }
0x41: {  	_ =	shalt  }
0x42: {  	_ =	shalt  }
0x43: {  	_ =	shalt  }
0x44: {  	_ =	shalt  }
0x45: {  	_ =	shalt  }
0x46: {  	_ =	shalt  }
0x47: {  	_ =	shalt  }
0x48: {  	_ =	shalt  }
0x49: {  	_ =	shalt  }
0x4a: {  	_ =	shalt  }
0x4b: {  	_ =	shalt  }
0x4c: {  	_ =	shalt  }
0x4d: {  	_ =	shalt  }
0x4e: {  	_ =	shalt  }
0x4f: {  	_ =	shalt  }
0x50: {  	_ =	shalt  }
0x51: {  	_ =	shalt  }
0x52: {  	_ =	shalt  }
0x53: {  	_ =	shalt  }
0x54: {  	_ =	shalt  }
0x55: {  	_ =	shalt  }
0x56: {  	_ =	shalt  }
0x57: {  	_ =	shalt  }
0x58: {  	_ =	shalt  }
0x59: {  	_ =	shalt  }
0x5a: {  	_ =	shalt  }
0x5b: {  	_ =	shalt  }
0x5c: {  	_ =	shalt  }
0x5d: {  	_ =	shalt  }
0x5e: {  	_ =	shalt  }
0x5f: {  	_ =	shalt  }
0x60: {  	_ =	shalt  }
0x61: {  	_ =	shalt  }
0x62: {  	_ =	shalt  }
0x63: {  	_ =	shalt  }
0x64: {  	_ =	shalt  }
0x65: {  	_ =	shalt  }
0x66: {  	_ =	shalt  }
0x67: {  	_ =	shalt  }
0x68: {  	_ =	shalt  }
0x69: {  	_ =	shalt  }
0x6a: {  	_ =	shalt  }
0x6b: {  	_ =	shalt  }
0x6c: {  	_ =	shalt  }
0x6d: {  	_ =	shalt  }
0x6e: {  	_ =	shalt  }
0x6f: {  	_ =	shalt  }
0x70: {  	_ =	shalt  }
0x71: {  	_ =	shalt  }
0x72: {  	_ =	shalt  }
0x73: {  	_ =	shalt  }
0x74: {  	_ =	shalt  }
0x75: {  	_ =	shalt  }
0x76: {  	_ =	shalt  }
0x77: {  	_ =	shalt  }
0x78: {  	_ =	shalt  }
0x79: {  	_ =	shalt  }
0x7a: {  	_ =	shalt  }
0x7b: {  	_ =	shalt  }
0x7c: {  	_ =	shalt  }
0x7d: {  	_ =	shalt  }
0x7e: {  	_ =	shalt  }
0x7f: {  	_ =	shalt  }
0x80: {  	_ =	shalt  }
0x81: {  	_ =	shalt  }
0x82: {  	_ =	shalt  }
0x83: {  	_ =	shalt  }
0x84: {  	_ =	shalt  }
0x85: {  	_ =	shalt  }
0x86: {  	_ =	shalt  }
0x87: {  	_ =	shalt  }
.Lfunc_end0:
.L_simem_size_0:
called_computation_lowered:
.L_overlay_start_0:
0x88: {  	s2 =	sld [smem:$0x3FD9]  }
0x89: {  	s3 =	sld [smem:$0x3FFE];
	_ =	sdelay $0x1  }
0x8a: {  	s1 =	srdreg.scid  }
0x8b: {  	s0 =	sand.u32 $0x1, s1  }
0x8c: {  	s14 =	sshll.u32 s0, $0xA;
	s2 =	sadd.s32 s3, s2  }
0x8d: {  	s2 =	sadd.s32 s2, s14  }
0x8e: {  	[smem:$0x3FC4] =	sst s2  }
0x8f: {  	_ = 	snop  }
0x90: {  	s2 =	sld [smem:$0x3FD0];
	_ =	sdelay $0x2  }
0x91: {  	s15 =	simm.s32 $0xA;
	s4 =	simm.s32 $0x10  }
0x92: {  	[smem:s4], [sflag:s15] =	dma.local [hbm:s2], $0x1  }
0x93: {  	_ =	swait.eq [sflag:s15], $0x1  }
0x94: {  	[sflag:s15] =	ssyncset.done $0x0  }
0x95: {  	[sflag:s15] =	ssyncadd.s32 $0xFFFFFFFF  }
0x96: {  	s16 =	sld [smem:$0x10];
	(tm) =	ssettm $0x1  }
0x97: {  	s17 =	sld [smem:$0x3FFB];
	_ =	sdelay $0x3  }
0x98: {  	_ =	strace s17  }
0x99: {  	s3 =	sld [smem:$0x3FFC];
	_ =	sdelay $0x3  }
0x9a: {  	_ =	strace s3  }
0x9b: {  	s3 =	sld [smem:$0x3FFD];
	_ =	sdelay $0x3  }
0x9c: {  	_ =	strace s3  }
0x9d: {  	_ =	strace $0x8FFFFFFF  }
0x9e: {  	s18 =	sld [smem:$0x3FDB];
	_ =	sdelay $0x1  }
0x9f: {  	s19 =	simm.s32 $_scs_section_size  }
0xa0: {  	s5 =	simm.s32 $_size__tile_overlayer_lowered;
	s6 =	simm.s32 $_tile_overlayer_lowered  }
0xa1: {  	s22 =	simm.s32 $0x1BFF;
	s21 =	sshll.u32 s6, $0x1;
	s3 =	sadd.s32 s19, s18  }
0xa2: {  	s7 =	simm.s32 $0x0;
	s20 =	sshll.u32 s5, $0x1;
	s5 =	sadd.s32 s21, s3  }
0xa3: {  	[timem:s7], [sflag:s22] =	dma.local [hbm:s5], s20  }
0xa4: {  	_ =	swait.ge [sflag:s22], s20  }
0xa5: {  	s4 =	ssub.s32 $0x0, s20;
	[sflag:s22] =	ssyncset.done $0x0  }
0xa6: {  	[sflag:s22] =	ssyncadd.s32 s4;
	_ =	sdelay $0x1  }
0xa7: {  	s23 =	simm.s32 $0x1B8B  }
0xa8: {  	_ =	swait.ge [sflag:s23], $0x1  }
0xa9: {  	[sflag:s23] =	ssyncset.done $0x0  }
0xaa: {  	s25 =	simm.s32 $0x1B8E;
	s24 =	sld [smem:$0x3FFE];
	[sflag:s23] =	ssyncadd.s32 $0xFFFFFFFF  }
0xab: {  	s26 =	simm.s32 $execute0_lowered;
	[smem:$0x3FD2] =	sst s25  }
0xac: {  	s5 =	sshll.u32 s26, $0x1;
	_ =	strace $0x80000046;
	[dreg:$0x1] =	wrdreg $0xFFFFFFFF  }
0xad: {  	s28 =	simm.s32 $_size_execute0_lowered;
	s3 =	sadd.s32 s3, s5;
	[dreg:$0x0] =	wrdreg $0x0  }
0xae: {  	s5 =	sshll.u32 s28, $0x1;
	[dreg:$0x2] =	wrdreg s3  }
0xaf: {  	[dreg:$0x3] =	wrdreg s5  }
0xb0: {  	[dreg:$0x4] =	wrdreg $0xC0  }
0xb1: {  	_ =	task [dreg:s7], $0x5FFFF  }
0xb2: {  	[dreg:$0x1] =	wrdreg $0xFFFFFFFF  }
0xb3: {  	[dreg:$0x0] =	wrdreg $0x60  }
0xb4: {  	[dreg:$0x2] =	wrdreg s24  }
0xb5: {  	[dreg:$0x3] =	wrdreg s16  }
0xb6: {  	[dreg:$0x4] =	wrdreg $0x9  }
0xb7: {  	_ =	task.clear_ibuf [dreg:s7], $0x5FFFF;
	_ =	strace $0x90000046  }
0xb8: {  	s29 =	simm.s32 $0x9;
	_ =	strace $0x80000048  }
0xb9: {  	_ =	swait.ge [sflag:s29], $0x1  }
0xba: {  	[sflag:s29] =	ssyncadd.s32 $0xFFFFFFFF  }
0xbb: {  	_ =	strace $0x90000048  }
0xbc: {  	_ =	sfence  }
0xbd: {  	s30 =	sld [smem:$0x0];
	_ =	sdelay $0x2  }
0xbe: {  	s31 =	sshll.u32 s1, $0xD;
	s1 =	sshrl.u32 s1, $0x2  }
0xbf: {  	s3 =	sand.u32 $0x4000, s31;
	s1 =	sadd.s32 s1, s30  }
0xc0: {  	s0 =	sor.u32 s3, s0;
	s1 =	sshll.u32 s1, $0x11  }
0xc1: {  	s0 =	sor.u32 s1, s0  }
0xc2: {  	s0 =	sadd.s32 $0x8F2B, s0  }
0xc3: {  	[sflag:s0] =	ssyncadd.remote.s32 $0x1  }
0xc4: {  	_ =	sfence.sel $0xFFFF  }
0xc5: {  	[dreg:$0x0] =	wrdreg $0xFFFFFFFF;
	(pc) =	sbr.abs _section_cstart, $3  }
0xc6: {  	[dreg:$0x1] =	wrdreg $0xFFFFFFFF  }
0xc7: {  	_ =	task.clear_ibuf [dreg:s7], $0x2FFFF;
	_ =	strace $0x9FFFFFFF  }
0xc8: {  	(tm) =	ssettm $0x7FFFFFFF  }
0xc9: {  	_ =	shalt  }
tec
execute0_lowered:
.L_overlay_start_1:
0x0: {  	(tag) =	ssettag $0x1  }
0x1: {  	s0 =	srdreg.scid;
	s4 =	rddreg [dreg:$0x0]  }
0x2: {  	s1 =	stileid.u32;
	s3 =	rddreg [dreg:$0x1]  }
0x3: {  	s2 =	simm.s32 $0x0;
	s31 =	simm.s32 $0x2;
	s7 =	simm.s32 $0x280  }
0x4: {  	s11 =	simm.s32 $0x2280;
	s12 =	simm.s32 $0x2A80;
	s13 =	simm.s32 $0x3280  }
0x5: {  	s14 =	simm.s32 $0x3A80;
	s15 =	simm.s32 $0x4280;
	s16 =	simm.s32 $0x4A80  }
0x6: {  	s17 =	simm.s32 $0x5280;
	s0 =	sand.u32 $0x1, s0;
	s1 =	sshll.u32 s1, $0x1  }
0x7: {  	s18 =	simm.s32 $0x5A80;
	s19 =	simm.s32 $0x6280;
	s1 =	sor.u32 s0, s1  }
0x8: {  	s28 =	simm.s32 $0xA280;
	s29 =	simm.s32 $0xAA80;
	s5 =	smul.u32 $0x48, s1  }
0x9: {  	s30 =	simm.s32 $0xB280;
	s0 =	ssub.s32 $0x2, s0;
	s6 =	smul.u32 $0x48000, s1  }
0xa: {  	[smem:$0x7FF] =	sst s2;
	s1 =	smul.u32 $0x9000, s1;
	s24 =	sshrl.u32 s0, $0x1  }
0xb: {  	_ =	strace $0x80000047;
	s0 =	ssub.s32 s0, s24;
	s24 =	simm.s32 $0x8A80  }
0xc: {  	s5 =	sadd.s32 s5, s4;
	s6 =	sshrl.u32 s6, $0x3;
	s1 =	sadd.s32 s3, s1  }
0xd: {  	s5 =	sadd.s32 $0x11200, s5;
	s20 =	sadd.s32 s3, s6;
	[dreg:$0x4] =	wrdreg s1  }
0xe: {  	s3 =	sadd.s32 $0x1200, s4;
	[dreg:$0x3] =	wrdreg s5;
	s21 =	sadd.s32 $0x1800, s20  }
0xf: {  	s4 =	sadd.s32 $0x1300, s4;
	s22 =	sadd.s32 $0x3000, s20;
	[dreg:$0x5] =	wrdreg s21  }
0x10: {  	s1 =	simm.s32 $0x1;
	s23 =	sadd.s32 $0x4800, s20;
	[dreg:$0x6] =	wrdreg s22  }
0x11: {  	s25 =	sadd.s32 $0x6000, s20;
	s26 =	sadd.s32 $0x7800, s20;
	[dreg:$0x7] =	wrdreg s23  }
0x12: {  	v2 =	vlaneseq.u32;
	s5 =	smax.u32 s0, $0x1;
	s20 =	simm.s32 $0x6A80;
	[dreg:$0x8] =	wrdreg s25  }
0x13: {  	vm0 =	vmmov $0xffff;
	v1 =	vshrl.u32 v2, $0x3;
	[dreg:$0x9] =	wrdreg s26;
	s21 =	simm.s32 $0x7280;
	s22 =	simm.s32 $0x7A80  }
0x14: {  	v0 =	vand.u32 $0x7, v2;
	v2 =	vor.u32 $0x8, v2;
	v1 =	vmul.u32 $0x8, v1;
	s23 =	simm.s32 $0x8280;
	s25 =	simm.s32 $0x9280;
	s26 =	simm.s32 $0x9A80  }
.LBB2_1:
0x15: {  	s6 =	rddreg [dreg:$0x3];
	s9 =	simm.s32 $0x3  }
0x16: {  	[tilespmem:s2], [sflag:$0x3] =	stream.linear.gather [hbm4b:s6+s2], $0x240, $0x38;
	[tilespmem:$0x18280] =	vst v63  }
0x17: {  	_ =	swait.ge [sflag:s9], $0x240  }
0x18: {  	[sflag:s9] =	ssyncset.done $0x0  }
0x19: {  	[sflag:s9] =	ssyncadd.s32 $0xFFFFFDC0  }
0x1a: {  	v3 =	vld [tilespmem:$0x0];
	_ =	sdelay $0x4  }
0x1b: {  	v4 =	vshll.u32 v3, $0x2  }
0x1c: {  	v3 =	vand.u32 $0x7, v3;
	v4 =	vand.u32 $0xFFFFFFE0, v4  }
0x1d: {  	v3 =	vor.u32 v3, v4  }
0x1e: {  	v4 =	vperm.xlane v3, v0;
	_ =	sdelay $0x1  }
0x1f: {  	v4 =	vadd.s32 v1, v4;
	_ =	sdelay $0x1  }
0x20: {  	v3 =	vperm.xlane v3, v2;
	_ =	sdelay $0x1  }
0x21: {  	v3 =	vadd.s32 v1, v3  }
0x22: {  	[tilespmem:s7], [sflag:$0x1] =	stream.indirect_vreg.gather [hbm4b:s3+s2], $0x80, v4, vm0, $0xb8;
	[tilespmem:$0x18280] =	vst v63  }
0x23: {  	s0 =	simm.s32 $0xA80  }
0x24: {  	[tilespmem:s0], [sflag:$0x1] =	stream.indirect_vreg.gather [hbm4b:s4+s2], $0x80, v4, vm0, $0xb8;
	[tilespmem:$0x18280] =	vst v63  }
0x25: {  	s10 =	simm.s32 $0x1280  }
0x26: {  	[tilespmem:s10], [sflag:$0x1] =	stream.indirect_vreg.gather [hbm4b:s3+s2], $0x80, v3, vm0, $0xb8;
	[tilespmem:$0x18280] =	vst v63  }
0x27: {  	s10 =	simm.s32 $0x1A80  }
0x28: {  	[tilespmem:s10], [sflag:$0x1] =	stream.indirect_vreg.gather [hbm4b:s4+s2], $0x80, v3, vm0, $0xb8;
	[tilespmem:$0x18280] =	vst v63  }
0x29: {  	v3 =	vld [tilespmem:$0x10];
	_ =	sdelay $0x4  }
0x2a: {  	v29 =	vshll.u32 v3, $0x2  }
0x2b: {  	v3 =	vand.u32 $0x7, v3;
	v4 =	vand.u32 $0xFFFFFFE0, v29  }
0x2c: {  	v3 =	vor.u32 v3, v4  }
0x2d: {  	v4 =	vperm.xlane v3, v0;
	_ =	sdelay $0x1  }
0x2e: {  	v4 =	vadd.s32 v1, v4;
	_ =	sdelay $0x1  }
0x2f: {  	v3 =	vperm.xlane v3, v2;
	_ =	sdelay $0x1  }
0x30: {  	v3 =	vadd.s32 v1, v3  }
0x31: {  	[tilespmem:s11], [sflag:$0x1] =	stream.indirect_vreg.gather [hbm4b:s3+s2], $0x80, v4, vm0, $0xb8;
	[tilespmem:$0x18280] =	vst v63  }
0x32: {  	_ = 	snop  }
0x33: {  	[tilespmem:s12], [sflag:$0x1] =	stream.indirect_vreg.gather [hbm4b:s4+s2], $0x80, v4, vm0, $0xb8;
	[tilespmem:$0x18280] =	vst v63  }
0x34: {  	_ = 	snop  }
0x35: {  	[tilespmem:s13], [sflag:$0x1] =	stream.indirect_vreg.gather [hbm4b:s3+s2], $0x80, v3, vm0, $0xb8;
	[tilespmem:$0x18280] =	vst v63  }
0x36: {  	_ = 	snop  }
0x37: {  	[tilespmem:s14], [sflag:$0x1] =	stream.indirect_vreg.gather [hbm4b:s4+s2], $0x80, v3, vm0, $0xb8;
	[tilespmem:$0x18280] =	vst v63  }
0x38: {  	v3 =	vld [tilespmem:$0x20];
	_ =	sdelay $0x4  }
0x39: {  	v30 =	vshll.u32 v3, $0x2  }
0x3a: {  	v3 =	vand.u32 $0x7, v3;
	v4 =	vand.u32 $0xFFFFFFE0, v30  }
0x3b: {  	v3 =	vor.u32 v3, v4  }
0x3c: {  	v4 =	vperm.xlane v3, v0;
	_ =	sdelay $0x1  }
0x3d: {  	v4 =	vadd.s32 v1, v4;
	_ =	sdelay $0x1  }
0x3e: {  	v3 =	vperm.xlane v3, v2;
	_ =	sdelay $0x1  }
0x3f: {  	v3 =	vadd.s32 v1, v3  }
0x40: {  	[tilespmem:s15], [sflag:$0x1] =	stream.indirect_vreg.gather [hbm4b:s3+s2], $0x80, v4, vm0, $0xb8;
	[tilespmem:$0x18280] =	vst v63  }
0x41: {  	_ = 	snop  }
0x42: {  	[tilespmem:s16], [sflag:$0x1] =	stream.indirect_vreg.gather [hbm4b:s4+s2], $0x80, v4, vm0, $0xb8;
	[tilespmem:$0x18280] =	vst v63  }
0x43: {  	_ = 	snop  }
0x44: {  	[tilespmem:s17], [sflag:$0x1] =	stream.indirect_vreg.gather [hbm4b:s3+s2], $0x80, v3, vm0, $0xb8;
	[tilespmem:$0x18280] =	vst v63  }
0x45: {  	_ = 	snop  }
0x46: {  	[tilespmem:s18], [sflag:$0x1] =	stream.indirect_vreg.gather [hbm4b:s4+s2], $0x80, v3, vm0, $0xb8;
	[tilespmem:$0x18280] =	vst v63  }
0x47: {  	v3 =	vld [tilespmem:$0x30];
	_ =	sdelay $0x4  }
0x48: {  	v31 =	vshll.u32 v3, $0x2  }
0x49: {  	v3 =	vand.u32 $0x7, v3;
	v4 =	vand.u32 $0xFFFFFFE0, v31  }
0x4a: {  	v3 =	vor.u32 v3, v4  }
0x4b: {  	v4 =	vperm.xlane v3, v0;
	_ =	sdelay $0x1  }
0x4c: {  	v4 =	vadd.s32 v1, v4;
	_ =	sdelay $0x1  }
0x4d: {  	v3 =	vperm.xlane v3, v2;
	_ =	sdelay $0x1  }
0x4e: {  	v3 =	vadd.s32 v1, v3  }
0x4f: {  	[tilespmem:s19], [sflag:$0x1] =	stream.indirect_vreg.gather [hbm4b:s3+s2], $0x80, v4, vm0, $0xb8;
	[tilespmem:$0x18280] =	vst v63  }
0x50: {  	_ = 	snop  }
0x51: {  	[tilespmem:s20], [sflag:$0x1] =	stream.indirect_vreg.gather [hbm4b:s4+s2], $0x80, v4, vm0, $0xb8;
	[tilespmem:$0x18280] =	vst v63  }
0x52: {  	_ = 	snop  }
0x53: {  	[tilespmem:s21], [sflag:$0x1] =	stream.indirect_vreg.gather [hbm4b:s3+s2], $0x80, v3, vm0, $0xb8;
	[tilespmem:$0x18280] =	vst v63  }
0x54: {  	_ = 	snop  }
0x55: {  	[tilespmem:s22], [sflag:$0x1] =	stream.indirect_vreg.gather [hbm4b:s4+s2], $0x80, v3, vm0, $0xb8;
	[tilespmem:$0x18280] =	vst v63  }
0x56: {  	v3 =	vld [tilespmem:$0x40];
	_ =	sdelay $0x4  }
0x57: {  	v32 =	vshll.u32 v3, $0x2  }
0x58: {  	v3 =	vand.u32 $0x7, v3;
	v4 =	vand.u32 $0xFFFFFFE0, v32  }
0x59: {  	v3 =	vor.u32 v3, v4  }
0x5a: {  	v4 =	vperm.xlane v3, v0;
	_ =	sdelay $0x1  }
0x5b: {  	v4 =	vadd.s32 v1, v4;
	_ =	sdelay $0x1  }
0x5c: {  	v3 =	vperm.xlane v3, v2;
	_ =	sdelay $0x1  }
0x5d: {  	v3 =	vadd.s32 v1, v3  }
0x5e: {  	[tilespmem:s23], [sflag:$0x1] =	stream.indirect_vreg.gather [hbm4b:s3+s2], $0x80, v4, vm0, $0xb8;
	[tilespmem:$0x18280] =	vst v63  }
0x5f: {  	_ = 	snop  }
0x60: {  	[tilespmem:s24], [sflag:$0x1] =	stream.indirect_vreg.gather [hbm4b:s4+s2], $0x80, v4, vm0, $0xb8;
	[tilespmem:$0x18280] =	vst v63  }
0x61: {  	_ = 	snop  }
0x62: {  	[tilespmem:s25], [sflag:$0x1] =	stream.indirect_vreg.gather [hbm4b:s3+s2], $0x80, v3, vm0, $0xb8;
	[tilespmem:$0x18280] =	vst v63  }
0x63: {  	_ = 	snop  }
0x64: {  	[tilespmem:s26], [sflag:$0x1] =	stream.indirect_vreg.gather [hbm4b:s4+s2], $0x80, v3, vm0, $0xb8;
	[tilespmem:$0x18280] =	vst v63  }
0x65: {  	v3 =	vld [tilespmem:$0x50];
	_ =	sdelay $0x4  }
0x66: {  	v33 =	vshll.u32 v3, $0x2  }
0x67: {  	v3 =	vand.u32 $0x7, v3;
	v4 =	vand.u32 $0xFFFFFFE0, v33  }
0x68: {  	v3 =	vor.u32 v3, v4  }
0x69: {  	v4 =	vperm.xlane v3, v0;
	_ =	sdelay $0x1  }
0x6a: {  	v4 =	vadd.s32 v1, v4;
	_ =	sdelay $0x1  }
0x6b: {  	v3 =	vperm.xlane v3, v2;
	_ =	sdelay $0x1  }
0x6c: {  	v3 =	vadd.s32 v1, v3  }
0x6d: {  	[tilespmem:s28], [sflag:$0x1] =	stream.indirect_vreg.gather [hbm4b:s3+s2], $0x80, v4, vm0, $0xb8;
	[tilespmem:$0x18280] =	vst v63  }
0x6e: {  	_ = 	snop  }
0x6f: {  	[tilespmem:s29], [sflag:$0x1] =	stream.indirect_vreg.gather [hbm4b:s4+s2], $0x80, v4, vm0, $0xb8;
	[tilespmem:$0x18280] =	vst v63  }
0x70: {  	_ = 	snop  }
0x71: {  	[tilespmem:s30], [sflag:$0x1] =	stream.indirect_vreg.gather [hbm4b:s3+s2], $0x80, v3, vm0, $0xb8;
	[tilespmem:$0x18280] =	vst v63  }
0x72: {  	s6 =	simm.s32 $0xBA80  }
0x73: {  	[tilespmem:s6], [sflag:$0x1] =	stream.indirect_vreg.gather [hbm4b:s4+s2], $0x80, v3, vm0, $0xb8;
	[tilespmem:$0x18280] =	vst v63  }
0x74: {  	_ =	swait.ge [sflag:s1], $0xC000  }
0x75: {  	[sflag:s1] =	ssyncset.done $0x0  }
0x76: {  	[sflag:s1] =	ssyncadd.s32 $0xFFFF4000  }
0x77: {  	v3 =	vld [tilespmem:$0x60];
	_ =	sdelay $0x4  }
0x78: {  	v34 =	vshll.u32 v3, $0x2  }
0x79: {  	v3 =	vand.u32 $0x7, v3;
	v4 =	vand.u32 $0xFFFFFFE0, v34  }
0x7a: {  	v3 =	vor.u32 v3, v4  }
0x7b: {  	v4 =	vperm.xlane v3, v0;
	_ =	sdelay $0x1  }
0x7c: {  	v4 =	vadd.s32 v1, v4;
	_ =	sdelay $0x1  }
0x7d: {  	v3 =	vperm.xlane v3, v2;
	_ =	sdelay $0x1  }
0x7e: {  	s0 =	simm.s32 $0xC280;
	v3 =	vadd.s32 v1, v3  }
0x7f: {  	[tilespmem:s0], [sflag:$0x1] =	stream.indirect_vreg.gather [hbm4b:s3+s2], $0x80, v4, vm0, $0xb8;
	[tilespmem:$0x18280] =	vst v63  }
0x80: {  	s8 =	simm.s32 $0xCA80  }
0x81: {  	[tilespmem:s8], [sflag:$0x1] =	stream.indirect_vreg.gather [hbm4b:s4+s2], $0x80, v4, vm0, $0xb8;
	[tilespmem:$0x18280] =	vst v63  }
0x82: {  	s8 =	simm.s32 $0xD280  }
0x83: {  	[tilespmem:s8], [sflag:$0x1] =	stream.indirect_vreg.gather [hbm4b:s3+s2], $0x80, v3, vm0, $0xb8;
	[tilespmem:$0x18280] =	vst v63  }
0x84: {  	s8 =	simm.s32 $0xDA80  }
0x85: {  	[tilespmem:s8], [sflag:$0x1] =	stream.indirect_vreg.gather [hbm4b:s4+s2], $0x80, v3, vm0, $0xb8;
	[tilespmem:$0x18280] =	vst v63  }
0x86: {  	v3 =	vld [tilespmem:$0x70];
	_ =	sdelay $0x4  }
0x87: {  	v35 =	vshll.u32 v3, $0x2  }
0x88: {  	v3 =	vand.u32 $0x7, v3;
	v4 =	vand.u32 $0xFFFFFFE0, v35  }
0x89: {  	v3 =	vor.u32 v3, v4  }
0x8a: {  	v4 =	vperm.xlane v3, v0;
	_ =	sdelay $0x1  }
0x8b: {  	v4 =	vadd.s32 v1, v4;
	_ =	sdelay $0x1  }
0x8c: {  	v3 =	vperm.xlane v3, v2;
	_ =	sdelay $0x1  }
0x8d: {  	s8 =	simm.s32 $0xE280;
	v3 =	vadd.s32 v1, v3  }
0x8e: {  	[tilespmem:s8], [sflag:$0x1] =	stream.indirect_vreg.gather [hbm4b:s3+s2], $0x80, v4, vm0, $0xb8;
	[tilespmem:$0x18280] =	vst v63  }
0x8f: {  	s8 =	simm.s32 $0xEA80  }
0x90: {  	[tilespmem:s8], [sflag:$0x1] =	stream.indirect_vreg.gather [hbm4b:s4+s2], $0x80, v4, vm0, $0xb8;
	[tilespmem:$0x18280] =	vst v63  }
0x91: {  	s8 =	simm.s32 $0xF280  }
0x92: {  	[tilespmem:s8], [sflag:$0x1] =	stream.indirect_vreg.gather [hbm4b:s3+s2], $0x80, v3, vm0, $0xb8;
	[tilespmem:$0x18280] =	vst v63  }
0x93: {  	s8 =	simm.s32 $0xFA80  }
0x94: {  	[tilespmem:s8], [sflag:$0x1] =	stream.indirect_vreg.gather [hbm4b:s4+s2], $0x80, v3, vm0, $0xb8;
	[tilespmem:$0x18280] =	vst v63  }
0x95: {  	v3 =	vld [tilespmem:$0x80];
	_ =	sdelay $0x4  }
0x96: {  	v36 =	vshll.u32 v3, $0x2  }
0x97: {  	v3 =	vand.u32 $0x7, v3;
	v4 =	vand.u32 $0xFFFFFFE0, v36  }
0x98: {  	v3 =	vor.u32 v3, v4  }
0x99: {  	v4 =	vperm.xlane v3, v0;
	_ =	sdelay $0x1  }
0x9a: {  	v4 =	vadd.s32 v1, v4;
	_ =	sdelay $0x1  }
0x9b: {  	v3 =	vperm.xlane v3, v2;
	_ =	sdelay $0x1  }
0x9c: {  	s8 =	simm.s32 $0x10280;
	v3 =	vadd.s32 v1, v3  }
0x9d: {  	[tilespmem:s8], [sflag:$0x1] =	stream.indirect_vreg.gather [hbm4b:s3+s2], $0x80, v4, vm0, $0xb8;
	[tilespmem:$0x18280] =	vst v63  }
0x9e: {  	s8 =	simm.s32 $0x10A80  }
0x9f: {  	[tilespmem:s8], [sflag:$0x1] =	stream.indirect_vreg.gather [hbm4b:s4+s2], $0x80, v4, vm0, $0xb8;
	[tilespmem:$0x18280] =	vst v63  }
0xa0: {  	s8 =	simm.s32 $0x11280  }
0xa1: {  	[tilespmem:s8], [sflag:$0x1] =	stream.indirect_vreg.gather [hbm4b:s3+s2], $0x80, v3, vm0, $0xb8;
	[tilespmem:$0x18280] =	vst v63  }
0xa2: {  	s8 =	simm.s32 $0x11A80  }
0xa3: {  	[tilespmem:s8], [sflag:$0x1] =	stream.indirect_vreg.gather [hbm4b:s4+s2], $0x80, v3, vm0, $0xb8;
	[tilespmem:$0x18280] =	vst v63  }
0xa4: {  	v3 =	vld [tilespmem:$0x90];
	_ =	sdelay $0x4  }
0xa5: {  	v37 =	vshll.u32 v3, $0x2  }
0xa6: {  	v3 =	vand.u32 $0x7, v3;
	v4 =	vand.u32 $0xFFFFFFE0, v37  }
0xa7: {  	v3 =	vor.u32 v3, v4  }
0xa8: {  	v4 =	vperm.xlane v3, v0;
	_ =	sdelay $0x1  }
0xa9: {  	v4 =	vadd.s32 v1, v4;
	_ =	sdelay $0x1  }
0xaa: {  	v3 =	vperm.xlane v3, v2;
	_ =	sdelay $0x1  }
0xab: {  	s8 =	simm.s32 $0x12280;
	v3 =	vadd.s32 v1, v3  }
0xac: {  	[tilespmem:s8], [sflag:$0x1] =	stream.indirect_vreg.gather [hbm4b:s3+s2], $0x80, v4, vm0, $0xb8;
	[tilespmem:$0x18280] =	vst v63  }
0xad: {  	s8 =	simm.s32 $0x12A80  }
0xae: {  	[tilespmem:s8], [sflag:$0x1] =	stream.indirect_vreg.gather [hbm4b:s4+s2], $0x80, v4, vm0, $0xb8;
	[tilespmem:$0x18280] =	vst v63  }
0xaf: {  	s8 =	simm.s32 $0x13280  }
0xb0: {  	[tilespmem:s8], [sflag:$0x1] =	stream.indirect_vreg.gather [hbm4b:s3+s2], $0x80, v3, vm0, $0xb8;
	[tilespmem:$0x18280] =	vst v63  }
0xb1: {  	s8 =	simm.s32 $0x13A80  }
0xb2: {  	[tilespmem:s8], [sflag:$0x1] =	stream.indirect_vreg.gather [hbm4b:s4+s2], $0x80, v3, vm0, $0xb8;
	[tilespmem:$0x18280] =	vst v63  }
0xb3: {  	v3 =	vld [tilespmem:$0xA0];
	_ =	sdelay $0x4  }
0xb4: {  	v38 =	vshll.u32 v3, $0x2  }
0xb5: {  	v3 =	vand.u32 $0x7, v3;
	v4 =	vand.u32 $0xFFFFFFE0, v38  }
0xb6: {  	v3 =	vor.u32 v3, v4  }
0xb7: {  	v4 =	vperm.xlane v3, v0;
	_ =	sdelay $0x1  }
0xb8: {  	v4 =	vadd.s32 v1, v4;
	_ =	sdelay $0x1  }
0xb9: {  	v3 =	vperm.xlane v3, v2;
	_ =	sdelay $0x1  }
0xba: {  	s8 =	simm.s32 $0x14280;
	v3 =	vadd.s32 v1, v3  }
0xbb: {  	[tilespmem:s8], [sflag:$0x1] =	stream.indirect_vreg.gather [hbm4b:s3+s2], $0x80, v4, vm0, $0xb8;
	[tilespmem:$0x18280] =	vst v63  }
0xbc: {  	s8 =	simm.s32 $0x14A80  }
0xbd: {  	[tilespmem:s8], [sflag:$0x1] =	stream.indirect_vreg.gather [hbm4b:s4+s2], $0x80, v4, vm0, $0xb8;
	[tilespmem:$0x18280] =	vst v63  }
0xbe: {  	s8 =	simm.s32 $0x15280  }
0xbf: {  	[tilespmem:s8], [sflag:$0x1] =	stream.indirect_vreg.gather [hbm4b:s3+s2], $0x80, v3, vm0, $0xb8;
	[tilespmem:$0x18280] =	vst v63  }
0xc0: {  	s8 =	simm.s32 $0x15A80  }
0xc1: {  	[tilespmem:s8], [sflag:$0x1] =	stream.indirect_vreg.gather [hbm4b:s4+s2], $0x80, v3, vm0, $0xb8;
	[tilespmem:$0x18280] =	vst v63  }
0xc2: {  	v3 =	vld [tilespmem:$0xB0];
	_ =	sdelay $0x4  }
0xc3: {  	v39 =	vshll.u32 v3, $0x2  }
0xc4: {  	v3 =	vand.u32 $0x7, v3;
	v4 =	vand.u32 $0xFFFFFFE0, v39  }
0xc5: {  	v3 =	vor.u32 v3, v4  }
0xc6: {  	v4 =	vperm.xlane v3, v0;
	_ =	sdelay $0x1  }
0xc7: {  	v4 =	vadd.s32 v1, v4;
	_ =	sdelay $0x1  }
0xc8: {  	v3 =	vperm.xlane v3, v2;
	_ =	sdelay $0x1  }
0xc9: {  	s8 =	simm.s32 $0x16280;
	v3 =	vadd.s32 v1, v3  }
0xca: {  	[tilespmem:s8], [sflag:$0x1] =	stream.indirect_vreg.gather [hbm4b:s3+s2], $0x80, v4, vm0, $0xb8;
	[tilespmem:$0x18280] =	vst v63  }
0xcb: {  	s8 =	simm.s32 $0x16A80  }
0xcc: {  	[tilespmem:s8], [sflag:$0x1] =	stream.indirect_vreg.gather [hbm4b:s4+s2], $0x80, v4, vm0, $0xb8;
	[tilespmem:$0x18280] =	vst v63  }
0xcd: {  	s8 =	simm.s32 $0x17280  }
0xce: {  	[tilespmem:s8], [sflag:$0x1] =	stream.indirect_vreg.gather [hbm4b:s3+s2], $0x80, v3, vm0, $0xb8;
	[tilespmem:$0x18280] =	vst v63  }
0xcf: {  	s8 =	simm.s32 $0x17A80  }
0xd0: {  	[tilespmem:s8], [sflag:$0x1] =	stream.indirect_vreg.gather [hbm4b:s4+s2], $0x80, v3, vm0, $0xb8;
	[tilespmem:$0x18280] =	vst v63  }
0xd1: {  	s6 =	rddreg [dreg:$0x4]  }
0xd2: {  	[hbm4b:s6+s2] =	stream.linear.scatter [tilespmem:s7], [sflag:$0x2], $0xC000, $0x38;
	[tilespmem:$0x18280] =	vst v63  }
0xd3: {  	_ =	swait.ge [sflag:s1], $0xC000  }
0xd4: {  	[sflag:s1] =	ssyncset.done $0x0  }
0xd5: {  	[sflag:s1] =	ssyncadd.s32 $0xFFFF4000  }
0xd6: {  	_ =	swait.ge [sflag:s31], $0xC000  }
0xd7: {  	[sflag:s31] =	ssyncset.done $0x0  }
0xd8: {  	[sflag:s31] =	ssyncadd.s32 $0xFFFF4000  }
0xd9: {  	v3 =	vld [tilespmem:$0xC0];
	_ =	sdelay $0x4  }
0xda: {  	v40 =	vshll.u32 v3, $0x2  }
0xdb: {  	v3 =	vand.u32 $0x7, v3;
	v4 =	vand.u32 $0xFFFFFFE0, v40  }
0xdc: {  	v3 =	vor.u32 v3, v4  }
0xdd: {  	v4 =	vperm.xlane v3, v0;
	_ =	sdelay $0x1  }
0xde: {  	v4 =	vadd.s32 v1, v4;
	_ =	sdelay $0x1  }
0xdf: {  	v3 =	vperm.xlane v3, v2;
	_ =	sdelay $0x1  }
0xe0: {  	v3 =	vadd.s32 v1, v3  }
0xe1: {  	[tilespmem:s7], [sflag:$0x1] =	stream.indirect_vreg.gather [hbm4b:s3+s2], $0x80, v4, vm0, $0xb8;
	[tilespmem:$0x18280] =	vst v63  }
0xe2: {  	s9 =	simm.s32 $0xA80  }
0xe3: {  	[tilespmem:s9], [sflag:$0x1] =	stream.indirect_vreg.gather [hbm4b:s4+s2], $0x80, v4, vm0, $0xb8;
	[tilespmem:$0x18280] =	vst v63  }
0xe4: {  	s8 =	simm.s32 $0x1280  }
0xe5: {  	[tilespmem:s8], [sflag:$0x1] =	stream.indirect_vreg.gather [hbm4b:s3+s2], $0x80, v3, vm0, $0xb8;
	[tilespmem:$0x18280] =	vst v63  }
0xe6: {  	_ = 	snop  }
0xe7: {  	[tilespmem:s10], [sflag:$0x1] =	stream.indirect_vreg.gather [hbm4b:s4+s2], $0x80, v3, vm0, $0xb8;
	[tilespmem:$0x18280] =	vst v63  }
0xe8: {  	v3 =	vld [tilespmem:$0xD0];
	_ =	sdelay $0x4  }
0xe9: {  	v41 =	vshll.u32 v3, $0x2  }
0xea: {  	v3 =	vand.u32 $0x7, v3;
	v4 =	vand.u32 $0xFFFFFFE0, v41  }
0xeb: {  	v3 =	vor.u32 v3, v4  }
0xec: {  	v4 =	vperm.xlane v3, v0;
	_ =	sdelay $0x1  }
0xed: {  	v4 =	vadd.s32 v1, v4;
	_ =	sdelay $0x1  }
0xee: {  	v3 =	vperm.xlane v3, v2;
	_ =	sdelay $0x1  }
0xef: {  	v3 =	vadd.s32 v1, v3  }
0xf0: {  	[tilespmem:s11], [sflag:$0x1] =	stream.indirect_vreg.gather [hbm4b:s3+s2], $0x80, v4, vm0, $0xb8;
	[tilespmem:$0x18280] =	vst v63  }
0xf1: {  	_ = 	snop  }
0xf2: {  	[tilespmem:s12], [sflag:$0x1] =	stream.indirect_vreg.gather [hbm4b:s4+s2], $0x80, v4, vm0, $0xb8;
	[tilespmem:$0x18280] =	vst v63  }
0xf3: {  	_ = 	snop  }
0xf4: {  	[tilespmem:s13], [sflag:$0x1] =	stream.indirect_vreg.gather [hbm4b:s3+s2], $0x80, v3, vm0, $0xb8;
	[tilespmem:$0x18280] =	vst v63  }
0xf5: {  	_ = 	snop  }
0xf6: {  	[tilespmem:s14], [sflag:$0x1] =	stream.indirect_vreg.gather [hbm4b:s4+s2], $0x80, v3, vm0, $0xb8;
	[tilespmem:$0x18280] =	vst v63  }
0xf7: {  	v3 =	vld [tilespmem:$0xE0];
	_ =	sdelay $0x4  }
0xf8: {  	v42 =	vshll.u32 v3, $0x2  }
0xf9: {  	v3 =	vand.u32 $0x7, v3;
	v4 =	vand.u32 $0xFFFFFFE0, v42  }
0xfa: {  	v3 =	vor.u32 v3, v4  }
0xfb: {  	v4 =	vperm.xlane v3, v0;
	_ =	sdelay $0x1  }
0xfc: {  	v4 =	vadd.s32 v1, v4;
	_ =	sdelay $0x1  }
0xfd: {  	v3 =	vperm.xlane v3, v2;
	_ =	sdelay $0x1  }
0xfe: {  	v3 =	vadd.s32 v1, v3  }
0xff: {  	[tilespmem:s15], [sflag:$0x1] =	stream.indirect_vreg.gather [hbm4b:s3+s2], $0x80, v4, vm0, $0xb8;
	[tilespmem:$0x18280] =	vst v63  }
0x100: {  	_ = 	snop  }
0x101: {  	[tilespmem:s16], [sflag:$0x1] =	stream.indirect_vreg.gather [hbm4b:s4+s2], $0x80, v4, vm0, $0xb8;
	[tilespmem:$0x18280] =	vst v63  }
0x102: {  	_ = 	snop  }
0x103: {  	[tilespmem:s17], [sflag:$0x1] =	stream.indirect_vreg.gather [hbm4b:s3+s2], $0x80, v3, vm0, $0xb8;
	[tilespmem:$0x18280] =	vst v63  }
0x104: {  	_ = 	snop  }
0x105: {  	[tilespmem:s18], [sflag:$0x1] =	stream.indirect_vreg.gather [hbm4b:s4+s2], $0x80, v3, vm0, $0xb8;
	[tilespmem:$0x18280] =	vst v63  }
0x106: {  	v3 =	vld [tilespmem:$0xF0];
	_ =	sdelay $0x4  }
0x107: {  	v43 =	vshll.u32 v3, $0x2  }
0x108: {  	v3 =	vand.u32 $0x7, v3;
	v4 =	vand.u32 $0xFFFFFFE0, v43  }
0x109: {  	v3 =	vor.u32 v3, v4  }
0x10a: {  	v4 =	vperm.xlane v3, v0;
	_ =	sdelay $0x1  }
0x10b: {  	v4 =	vadd.s32 v1, v4;
	_ =	sdelay $0x1  }
0x10c: {  	v3 =	vperm.xlane v3, v2;
	_ =	sdelay $0x1  }
0x10d: {  	v3 =	vadd.s32 v1, v3  }
0x10e: {  	[tilespmem:s19], [sflag:$0x1] =	stream.indirect_vreg.gather [hbm4b:s3+s2], $0x80, v4, vm0, $0xb8;
	[tilespmem:$0x18280] =	vst v63  }
0x10f: {  	_ = 	snop  }
0x110: {  	[tilespmem:s20], [sflag:$0x1] =	stream.indirect_vreg.gather [hbm4b:s4+s2], $0x80, v4, vm0, $0xb8;
	[tilespmem:$0x18280] =	vst v63  }
0x111: {  	_ = 	snop  }
0x112: {  	[tilespmem:s21], [sflag:$0x1] =	stream.indirect_vreg.gather [hbm4b:s3+s2], $0x80, v3, vm0, $0xb8;
	[tilespmem:$0x18280] =	vst v63  }
0x113: {  	_ = 	snop  }
0x114: {  	[tilespmem:s22], [sflag:$0x1] =	stream.indirect_vreg.gather [hbm4b:s4+s2], $0x80, v3, vm0, $0xb8;
	[tilespmem:$0x18280] =	vst v63  }
0x115: {  	v3 =	vld [tilespmem:$0x100];
	_ =	sdelay $0x4  }
0x116: {  	v44 =	vshll.u32 v3, $0x2  }
0x117: {  	v3 =	vand.u32 $0x7, v3;
	v4 =	vand.u32 $0xFFFFFFE0, v44  }
0x118: {  	v3 =	vor.u32 v3, v4  }
0x119: {  	v4 =	vperm.xlane v3, v0;
	_ =	sdelay $0x1  }
0x11a: {  	v4 =	vadd.s32 v1, v4;
	_ =	sdelay $0x1  }
0x11b: {  	v3 =	vperm.xlane v3, v2;
	_ =	sdelay $0x1  }
0x11c: {  	v3 =	vadd.s32 v1, v3  }
0x11d: {  	[tilespmem:s23], [sflag:$0x1] =	stream.indirect_vreg.gather [hbm4b:s3+s2], $0x80, v4, vm0, $0xb8;
	[tilespmem:$0x18280] =	vst v63  }
0x11e: {  	_ = 	snop  }
0x11f: {  	[tilespmem:s24], [sflag:$0x1] =	stream.indirect_vreg.gather [hbm4b:s4+s2], $0x80, v4, vm0, $0xb8;
	[tilespmem:$0x18280] =	vst v63  }
0x120: {  	_ = 	snop  }
0x121: {  	[tilespmem:s25], [sflag:$0x1] =	stream.indirect_vreg.gather [hbm4b:s3+s2], $0x80, v3, vm0, $0xb8;
	[tilespmem:$0x18280] =	vst v63  }
0x122: {  	_ = 	snop  }
0x123: {  	[tilespmem:s26], [sflag:$0x1] =	stream.indirect_vreg.gather [hbm4b:s4+s2], $0x80, v3, vm0, $0xb8;
	[tilespmem:$0x18280] =	vst v63  }
0x124: {  	v3 =	vld [tilespmem:$0x110];
	_ =	sdelay $0x4  }
0x125: {  	v45 =	vshll.u32 v3, $0x2  }
0x126: {  	v3 =	vand.u32 $0x7, v3;
	v4 =	vand.u32 $0xFFFFFFE0, v45  }
0x127: {  	v3 =	vor.u32 v3, v4  }
0x128: {  	v4 =	vperm.xlane v3, v0;
	_ =	sdelay $0x1  }
0x129: {  	v4 =	vadd.s32 v1, v4;
	_ =	sdelay $0x1  }
0x12a: {  	v3 =	vperm.xlane v3, v2;
	_ =	sdelay $0x1  }
0x12b: {  	v3 =	vadd.s32 v1, v3  }
0x12c: {  	[tilespmem:s28], [sflag:$0x1] =	stream.indirect_vreg.gather [hbm4b:s3+s2], $0x80, v4, vm0, $0xb8;
	[tilespmem:$0x18280] =	vst v63  }
0x12d: {  	_ = 	snop  }
0x12e: {  	[tilespmem:s29], [sflag:$0x1] =	stream.indirect_vreg.gather [hbm4b:s4+s2], $0x80, v4, vm0, $0xb8;
	[tilespmem:$0x18280] =	vst v63  }
0x12f: {  	_ = 	snop  }
0x130: {  	[tilespmem:s30], [sflag:$0x1] =	stream.indirect_vreg.gather [hbm4b:s3+s2], $0x80, v3, vm0, $0xb8;
	[tilespmem:$0x18280] =	vst v63  }
0x131: {  	s9 =	simm.s32 $0xBA80  }
0x132: {  	[tilespmem:s9], [sflag:$0x1] =	stream.indirect_vreg.gather [hbm4b:s4+s2], $0x80, v3, vm0, $0xb8;
	[tilespmem:$0x18280] =	vst v63  }
0x133: {  	s6 =	rddreg [dreg:$0x5]  }
0x134: {  	[hbm4b:s6+s2] =	stream.linear.scatter [tilespmem:s0], [sflag:$0x2], $0xC000, $0x38;
	[tilespmem:$0x18280] =	vst v63  }
0x135: {  	_ =	swait.ge [sflag:s1], $0xC000  }
0x136: {  	[sflag:s1] =	ssyncset.done $0x0  }
0x137: {  	[sflag:s1] =	ssyncadd.s32 $0xFFFF4000  }
0x138: {  	_ =	swait.ge [sflag:s31], $0xC000  }
0x139: {  	[sflag:s31] =	ssyncset.done $0x0  }
0x13a: {  	[sflag:s31] =	ssyncadd.s32 $0xFFFF4000  }
0x13b: {  	v3 =	vld [tilespmem:$0x120];
	_ =	sdelay $0x4  }
0x13c: {  	v46 =	vshll.u32 v3, $0x2  }
0x13d: {  	v3 =	vand.u32 $0x7, v3;
	v4 =	vand.u32 $0xFFFFFFE0, v46  }
0x13e: {  	v3 =	vor.u32 v3, v4  }
0x13f: {  	v4 =	vperm.xlane v3, v0;
	_ =	sdelay $0x1  }
0x140: {  	v4 =	vadd.s32 v1, v4;
	_ =	sdelay $0x1  }
0x141: {  	v3 =	vperm.xlane v3, v2;
	_ =	sdelay $0x1  }
0x142: {  	v3 =	vadd.s32 v1, v3  }
0x143: {  	[tilespmem:s0], [sflag:$0x1] =	stream.indirect_vreg.gather [hbm4b:s3+s2], $0x80, v4, vm0, $0xb8;
	[tilespmem:$0x18280] =	vst v63  }
0x144: {  	s8 =	simm.s32 $0xCA80  }
0x145: {  	[tilespmem:s8], [sflag:$0x1] =	stream.indirect_vreg.gather [hbm4b:s4+s2], $0x80, v4, vm0, $0xb8;
	[tilespmem:$0x18280] =	vst v63  }
0x146: {  	s9 =	simm.s32 $0xD280  }
0x147: {  	[tilespmem:s9], [sflag:$0x1] =	stream.indirect_vreg.gather [hbm4b:s3+s2], $0x80, v3, vm0, $0xb8;
	[tilespmem:$0x18280] =	vst v63  }
0x148: {  	s9 =	simm.s32 $0xDA80  }
0x149: {  	[tilespmem:s9], [sflag:$0x1] =	stream.indirect_vreg.gather [hbm4b:s4+s2], $0x80, v3, vm0, $0xb8;
	[tilespmem:$0x18280] =	vst v63  }
0x14a: {  	v3 =	vld [tilespmem:$0x130];
	_ =	sdelay $0x4  }
0x14b: {  	v47 =	vshll.u32 v3, $0x2  }
0x14c: {  	v3 =	vand.u32 $0x7, v3;
	v4 =	vand.u32 $0xFFFFFFE0, v47  }
0x14d: {  	v3 =	vor.u32 v3, v4  }
0x14e: {  	v4 =	vperm.xlane v3, v0;
	_ =	sdelay $0x1  }
0x14f: {  	v4 =	vadd.s32 v1, v4;
	_ =	sdelay $0x1  }
0x150: {  	v3 =	vperm.xlane v3, v2;
	_ =	sdelay $0x1  }
0x151: {  	s9 =	simm.s32 $0xE280;
	v3 =	vadd.s32 v1, v3  }
0x152: {  	[tilespmem:s9], [sflag:$0x1] =	stream.indirect_vreg.gather [hbm4b:s3+s2], $0x80, v4, vm0, $0xb8;
	[tilespmem:$0x18280] =	vst v63  }
0x153: {  	s9 =	simm.s32 $0xEA80  }
0x154: {  	[tilespmem:s9], [sflag:$0x1] =	stream.indirect_vreg.gather [hbm4b:s4+s2], $0x80, v4, vm0, $0xb8;
	[tilespmem:$0x18280] =	vst v63  }
0x155: {  	s9 =	simm.s32 $0xF280  }
0x156: {  	[tilespmem:s9], [sflag:$0x1] =	stream.indirect_vreg.gather [hbm4b:s3+s2], $0x80, v3, vm0, $0xb8;
	[tilespmem:$0x18280] =	vst v63  }
0x157: {  	s9 =	simm.s32 $0xFA80  }
0x158: {  	[tilespmem:s9], [sflag:$0x1] =	stream.indirect_vreg.gather [hbm4b:s4+s2], $0x80, v3, vm0, $0xb8;
	[tilespmem:$0x18280] =	vst v63  }
0x159: {  	v3 =	vld [tilespmem:$0x140];
	_ =	sdelay $0x4  }
0x15a: {  	v48 =	vshll.u32 v3, $0x2  }
0x15b: {  	v3 =	vand.u32 $0x7, v3;
	v4 =	vand.u32 $0xFFFFFFE0, v48  }
0x15c: {  	v3 =	vor.u32 v3, v4  }
0x15d: {  	v4 =	vperm.xlane v3, v0;
	_ =	sdelay $0x1  }
0x15e: {  	v4 =	vadd.s32 v1, v4;
	_ =	sdelay $0x1  }
0x15f: {  	v3 =	vperm.xlane v3, v2;
	_ =	sdelay $0x1  }
0x160: {  	s9 =	simm.s32 $0x10280;
	v3 =	vadd.s32 v1, v3  }
0x161: {  	[tilespmem:s9], [sflag:$0x1] =	stream.indirect_vreg.gather [hbm4b:s3+s2], $0x80, v4, vm0, $0xb8;
	[tilespmem:$0x18280] =	vst v63  }
0x162: {  	s9 =	simm.s32 $0x10A80  }
0x163: {  	[tilespmem:s9], [sflag:$0x1] =	stream.indirect_vreg.gather [hbm4b:s4+s2], $0x80, v4, vm0, $0xb8;
	[tilespmem:$0x18280] =	vst v63  }
0x164: {  	s9 =	simm.s32 $0x11280  }
0x165: {  	[tilespmem:s9], [sflag:$0x1] =	stream.indirect_vreg.gather [hbm4b:s3+s2], $0x80, v3, vm0, $0xb8;
	[tilespmem:$0x18280] =	vst v63  }
0x166: {  	s9 =	simm.s32 $0x11A80  }
0x167: {  	[tilespmem:s9], [sflag:$0x1] =	stream.indirect_vreg.gather [hbm4b:s4+s2], $0x80, v3, vm0, $0xb8;
	[tilespmem:$0x18280] =	vst v63  }
0x168: {  	v3 =	vld [tilespmem:$0x150];
	_ =	sdelay $0x4  }
0x169: {  	v49 =	vshll.u32 v3, $0x2  }
0x16a: {  	v3 =	vand.u32 $0x7, v3;
	v4 =	vand.u32 $0xFFFFFFE0, v49  }
0x16b: {  	v3 =	vor.u32 v3, v4  }
0x16c: {  	v4 =	vperm.xlane v3, v0;
	_ =	sdelay $0x1  }
0x16d: {  	v4 =	vadd.s32 v1, v4;
	_ =	sdelay $0x1  }
0x16e: {  	v3 =	vperm.xlane v3, v2;
	_ =	sdelay $0x1  }
0x16f: {  	s9 =	simm.s32 $0x12280;
	v3 =	vadd.s32 v1, v3  }
0x170: {  	[tilespmem:s9], [sflag:$0x1] =	stream.indirect_vreg.gather [hbm4b:s3+s2], $0x80, v4, vm0, $0xb8;
	[tilespmem:$0x18280] =	vst v63  }
0x171: {  	s9 =	simm.s32 $0x12A80  }
0x172: {  	[tilespmem:s9], [sflag:$0x1] =	stream.indirect_vreg.gather [hbm4b:s4+s2], $0x80, v4, vm0, $0xb8;
	[tilespmem:$0x18280] =	vst v63  }
0x173: {  	s9 =	simm.s32 $0x13280  }
0x174: {  	[tilespmem:s9], [sflag:$0x1] =	stream.indirect_vreg.gather [hbm4b:s3+s2], $0x80, v3, vm0, $0xb8;
	[tilespmem:$0x18280] =	vst v63  }
0x175: {  	s9 =	simm.s32 $0x13A80  }
0x176: {  	[tilespmem:s9], [sflag:$0x1] =	stream.indirect_vreg.gather [hbm4b:s4+s2], $0x80, v3, vm0, $0xb8;
	[tilespmem:$0x18280] =	vst v63  }
0x177: {  	v3 =	vld [tilespmem:$0x160];
	_ =	sdelay $0x4  }
0x178: {  	v50 =	vshll.u32 v3, $0x2  }
0x179: {  	v3 =	vand.u32 $0x7, v3;
	v4 =	vand.u32 $0xFFFFFFE0, v50  }
0x17a: {  	v3 =	vor.u32 v3, v4  }
0x17b: {  	v4 =	vperm.xlane v3, v0;
	_ =	sdelay $0x1  }
0x17c: {  	v4 =	vadd.s32 v1, v4;
	_ =	sdelay $0x1  }
0x17d: {  	v3 =	vperm.xlane v3, v2;
	_ =	sdelay $0x1  }
0x17e: {  	s9 =	simm.s32 $0x14280;
	v3 =	vadd.s32 v1, v3  }
0x17f: {  	[tilespmem:s9], [sflag:$0x1] =	stream.indirect_vreg.gather [hbm4b:s3+s2], $0x80, v4, vm0, $0xb8;
	[tilespmem:$0x18280] =	vst v63  }
0x180: {  	s9 =	simm.s32 $0x14A80  }
0x181: {  	[tilespmem:s9], [sflag:$0x1] =	stream.indirect_vreg.gather [hbm4b:s4+s2], $0x80, v4, vm0, $0xb8;
	[tilespmem:$0x18280] =	vst v63  }
0x182: {  	s9 =	simm.s32 $0x15280  }
0x183: {  	[tilespmem:s9], [sflag:$0x1] =	stream.indirect_vreg.gather [hbm4b:s3+s2], $0x80, v3, vm0, $0xb8;
	[tilespmem:$0x18280] =	vst v63  }
0x184: {  	s9 =	simm.s32 $0x15A80  }
0x185: {  	[tilespmem:s9], [sflag:$0x1] =	stream.indirect_vreg.gather [hbm4b:s4+s2], $0x80, v3, vm0, $0xb8;
	[tilespmem:$0x18280] =	vst v63  }
0x186: {  	v3 =	vld [tilespmem:$0x170];
	_ =	sdelay $0x4  }
0x187: {  	v51 =	vshll.u32 v3, $0x2  }
0x188: {  	v3 =	vand.u32 $0x7, v3;
	v4 =	vand.u32 $0xFFFFFFE0, v51  }
0x189: {  	v3 =	vor.u32 v3, v4  }
0x18a: {  	v4 =	vperm.xlane v3, v0;
	_ =	sdelay $0x1  }
0x18b: {  	v4 =	vadd.s32 v1, v4;
	_ =	sdelay $0x1  }
0x18c: {  	v3 =	vperm.xlane v3, v2;
	_ =	sdelay $0x1  }
0x18d: {  	s9 =	simm.s32 $0x16280;
	v3 =	vadd.s32 v1, v3  }
0x18e: {  	[tilespmem:s9], [sflag:$0x1] =	stream.indirect_vreg.gather [hbm4b:s3+s2], $0x80, v4, vm0, $0xb8;
	[tilespmem:$0x18280] =	vst v63  }
0x18f: {  	s9 =	simm.s32 $0x16A80  }
0x190: {  	[tilespmem:s9], [sflag:$0x1] =	stream.indirect_vreg.gather [hbm4b:s4+s2], $0x80, v4, vm0, $0xb8;
	[tilespmem:$0x18280] =	vst v63  }
0x191: {  	s9 =	simm.s32 $0x17280  }
0x192: {  	[tilespmem:s9], [sflag:$0x1] =	stream.indirect_vreg.gather [hbm4b:s3+s2], $0x80, v3, vm0, $0xb8;
	[tilespmem:$0x18280] =	vst v63  }
0x193: {  	s9 =	simm.s32 $0x17A80  }
0x194: {  	[tilespmem:s9], [sflag:$0x1] =	stream.indirect_vreg.gather [hbm4b:s4+s2], $0x80, v3, vm0, $0xb8;
	[tilespmem:$0x18280] =	vst v63  }
0x195: {  	s6 =	rddreg [dreg:$0x6]  }
0x196: {  	[hbm4b:s6+s2] =	stream.linear.scatter [tilespmem:s7], [sflag:$0x2], $0xC000, $0x38;
	[tilespmem:$0x18280] =	vst v63  }
0x197: {  	_ =	swait.ge [sflag:s1], $0xC000  }
0x198: {  	[sflag:s1] =	ssyncset.done $0x0  }
0x199: {  	[sflag:s1] =	ssyncadd.s32 $0xFFFF4000  }
0x19a: {  	_ =	swait.ge [sflag:s31], $0xC000  }
0x19b: {  	[sflag:s31] =	ssyncset.done $0x0  }
0x19c: {  	[sflag:s31] =	ssyncadd.s32 $0xFFFF4000  }
0x19d: {  	v3 =	vld [tilespmem:$0x180];
	_ =	sdelay $0x4  }
0x19e: {  	v52 =	vshll.u32 v3, $0x2  }
0x19f: {  	v3 =	vand.u32 $0x7, v3;
	v4 =	vand.u32 $0xFFFFFFE0, v52  }
0x1a0: {  	v3 =	vor.u32 v3, v4  }
0x1a1: {  	v4 =	vperm.xlane v3, v0;
	_ =	sdelay $0x1  }
0x1a2: {  	v4 =	vadd.s32 v1, v4;
	_ =	sdelay $0x1  }
0x1a3: {  	v3 =	vperm.xlane v3, v2;
	_ =	sdelay $0x1  }
0x1a4: {  	v3 =	vadd.s32 v1, v3  }
0x1a5: {  	[tilespmem:s7], [sflag:$0x1] =	stream.indirect_vreg.gather [hbm4b:s3+s2], $0x80, v4, vm0, $0xb8;
	[tilespmem:$0x18280] =	vst v63  }
0x1a6: {  	s6 =	simm.s32 $0xA80  }
0x1a7: {  	[tilespmem:s6], [sflag:$0x1] =	stream.indirect_vreg.gather [hbm4b:s4+s2], $0x80, v4, vm0, $0xb8;
	[tilespmem:$0x18280] =	vst v63  }
0x1a8: {  	s6 =	simm.s32 $0x1280  }
0x1a9: {  	[tilespmem:s6], [sflag:$0x1] =	stream.indirect_vreg.gather [hbm4b:s3+s2], $0x80, v3, vm0, $0xb8;
	[tilespmem:$0x18280] =	vst v63  }
0x1aa: {  	_ = 	snop  }
0x1ab: {  	[tilespmem:s10], [sflag:$0x1] =	stream.indirect_vreg.gather [hbm4b:s4+s2], $0x80, v3, vm0, $0xb8;
	[tilespmem:$0x18280] =	vst v63  }
0x1ac: {  	v3 =	vld [tilespmem:$0x190];
	_ =	sdelay $0x4  }
0x1ad: {  	v53 =	vshll.u32 v3, $0x2  }
0x1ae: {  	v3 =	vand.u32 $0x7, v3;
	v4 =	vand.u32 $0xFFFFFFE0, v53  }
0x1af: {  	v3 =	vor.u32 v3, v4  }
0x1b0: {  	v4 =	vperm.xlane v3, v0;
	_ =	sdelay $0x1  }
0x1b1: {  	v4 =	vadd.s32 v1, v4;
	_ =	sdelay $0x1  }
0x1b2: {  	v3 =	vperm.xlane v3, v2;
	_ =	sdelay $0x1  }
0x1b3: {  	v3 =	vadd.s32 v1, v3  }
0x1b4: {  	[tilespmem:s11], [sflag:$0x1] =	stream.indirect_vreg.gather [hbm4b:s3+s2], $0x80, v4, vm0, $0xb8;
	[tilespmem:$0x18280] =	vst v63  }
0x1b5: {  	_ = 	snop  }
0x1b6: {  	[tilespmem:s12], [sflag:$0x1] =	stream.indirect_vreg.gather [hbm4b:s4+s2], $0x80, v4, vm0, $0xb8;
	[tilespmem:$0x18280] =	vst v63  }
0x1b7: {  	_ = 	snop  }
0x1b8: {  	[tilespmem:s13], [sflag:$0x1] =	stream.indirect_vreg.gather [hbm4b:s3+s2], $0x80, v3, vm0, $0xb8;
	[tilespmem:$0x18280] =	vst v63  }
0x1b9: {  	_ = 	snop  }
0x1ba: {  	[tilespmem:s14], [sflag:$0x1] =	stream.indirect_vreg.gather [hbm4b:s4+s2], $0x80, v3, vm0, $0xb8;
	[tilespmem:$0x18280] =	vst v63  }
0x1bb: {  	v3 =	vld [tilespmem:$0x1A0];
	_ =	sdelay $0x4  }
0x1bc: {  	v54 =	vshll.u32 v3, $0x2  }
0x1bd: {  	v3 =	vand.u32 $0x7, v3;
	v4 =	vand.u32 $0xFFFFFFE0, v54  }
0x1be: {  	v3 =	vor.u32 v3, v4  }
0x1bf: {  	v4 =	vperm.xlane v3, v0;
	_ =	sdelay $0x1  }
0x1c0: {  	v4 =	vadd.s32 v1, v4;
	_ =	sdelay $0x1  }
0x1c1: {  	v3 =	vperm.xlane v3, v2;
	_ =	sdelay $0x1  }
0x1c2: {  	v3 =	vadd.s32 v1, v3  }
0x1c3: {  	[tilespmem:s15], [sflag:$0x1] =	stream.indirect_vreg.gather [hbm4b:s3+s2], $0x80, v4, vm0, $0xb8;
	[tilespmem:$0x18280] =	vst v63  }
0x1c4: {  	_ = 	snop  }
0x1c5: {  	[tilespmem:s16], [sflag:$0x1] =	stream.indirect_vreg.gather [hbm4b:s4+s2], $0x80, v4, vm0, $0xb8;
	[tilespmem:$0x18280] =	vst v63  }
0x1c6: {  	_ = 	snop  }
0x1c7: {  	[tilespmem:s17], [sflag:$0x1] =	stream.indirect_vreg.gather [hbm4b:s3+s2], $0x80, v3, vm0, $0xb8;
	[tilespmem:$0x18280] =	vst v63  }
0x1c8: {  	_ = 	snop  }
0x1c9: {  	[tilespmem:s18], [sflag:$0x1] =	stream.indirect_vreg.gather [hbm4b:s4+s2], $0x80, v3, vm0, $0xb8;
	[tilespmem:$0x18280] =	vst v63  }
0x1ca: {  	v3 =	vld [tilespmem:$0x1B0];
	_ =	sdelay $0x4  }
0x1cb: {  	v55 =	vshll.u32 v3, $0x2  }
0x1cc: {  	v3 =	vand.u32 $0x7, v3;
	v4 =	vand.u32 $0xFFFFFFE0, v55  }
0x1cd: {  	v3 =	vor.u32 v3, v4  }
0x1ce: {  	v4 =	vperm.xlane v3, v0;
	_ =	sdelay $0x1  }
0x1cf: {  	v4 =	vadd.s32 v1, v4;
	_ =	sdelay $0x1  }
0x1d0: {  	v3 =	vperm.xlane v3, v2;
	_ =	sdelay $0x1  }
0x1d1: {  	v3 =	vadd.s32 v1, v3  }
0x1d2: {  	[tilespmem:s19], [sflag:$0x1] =	stream.indirect_vreg.gather [hbm4b:s3+s2], $0x80, v4, vm0, $0xb8;
	[tilespmem:$0x18280] =	vst v63  }
0x1d3: {  	_ = 	snop  }
0x1d4: {  	[tilespmem:s20], [sflag:$0x1] =	stream.indirect_vreg.gather [hbm4b:s4+s2], $0x80, v4, vm0, $0xb8;
	[tilespmem:$0x18280] =	vst v63  }
0x1d5: {  	_ = 	snop  }
0x1d6: {  	[tilespmem:s21], [sflag:$0x1] =	stream.indirect_vreg.gather [hbm4b:s3+s2], $0x80, v3, vm0, $0xb8;
	[tilespmem:$0x18280] =	vst v63  }
0x1d7: {  	_ = 	snop  }
0x1d8: {  	[tilespmem:s22], [sflag:$0x1] =	stream.indirect_vreg.gather [hbm4b:s4+s2], $0x80, v3, vm0, $0xb8;
	[tilespmem:$0x18280] =	vst v63  }
0x1d9: {  	v3 =	vld [tilespmem:$0x1C0];
	_ =	sdelay $0x4  }
0x1da: {  	v56 =	vshll.u32 v3, $0x2  }
0x1db: {  	v3 =	vand.u32 $0x7, v3;
	v4 =	vand.u32 $0xFFFFFFE0, v56  }
0x1dc: {  	v3 =	vor.u32 v3, v4  }
0x1dd: {  	v4 =	vperm.xlane v3, v0;
	_ =	sdelay $0x1  }
0x1de: {  	v4 =	vadd.s32 v1, v4;
	_ =	sdelay $0x1  }
0x1df: {  	v3 =	vperm.xlane v3, v2;
	_ =	sdelay $0x1  }
0x1e0: {  	v3 =	vadd.s32 v1, v3  }
0x1e1: {  	[tilespmem:s23], [sflag:$0x1] =	stream.indirect_vreg.gather [hbm4b:s3+s2], $0x80, v4, vm0, $0xb8;
	[tilespmem:$0x18280] =	vst v63  }
0x1e2: {  	_ = 	snop  }
0x1e3: {  	[tilespmem:s24], [sflag:$0x1] =	stream.indirect_vreg.gather [hbm4b:s4+s2], $0x80, v4, vm0, $0xb8;
	[tilespmem:$0x18280] =	vst v63  }
0x1e4: {  	_ = 	snop  }
0x1e5: {  	[tilespmem:s25], [sflag:$0x1] =	stream.indirect_vreg.gather [hbm4b:s3+s2], $0x80, v3, vm0, $0xb8;
	[tilespmem:$0x18280] =	vst v63  }
0x1e6: {  	_ = 	snop  }
0x1e7: {  	[tilespmem:s26], [sflag:$0x1] =	stream.indirect_vreg.gather [hbm4b:s4+s2], $0x80, v3, vm0, $0xb8;
	[tilespmem:$0x18280] =	vst v63  }
0x1e8: {  	v3 =	vld [tilespmem:$0x1D0];
	_ =	sdelay $0x4  }
0x1e9: {  	v57 =	vshll.u32 v3, $0x2  }
0x1ea: {  	v3 =	vand.u32 $0x7, v3;
	v4 =	vand.u32 $0xFFFFFFE0, v57  }
0x1eb: {  	v3 =	vor.u32 v3, v4  }
0x1ec: {  	v4 =	vperm.xlane v3, v0;
	_ =	sdelay $0x1  }
0x1ed: {  	v4 =	vadd.s32 v1, v4;
	_ =	sdelay $0x1  }
0x1ee: {  	v3 =	vperm.xlane v3, v2;
	_ =	sdelay $0x1  }
0x1ef: {  	v3 =	vadd.s32 v1, v3  }
0x1f0: {  	[tilespmem:s28], [sflag:$0x1] =	stream.indirect_vreg.gather [hbm4b:s3+s2], $0x80, v4, vm0, $0xb8;
	[tilespmem:$0x18280] =	vst v63  }
0x1f1: {  	_ = 	snop  }
0x1f2: {  	[tilespmem:s29], [sflag:$0x1] =	stream.indirect_vreg.gather [hbm4b:s4+s2], $0x80, v4, vm0, $0xb8;
	[tilespmem:$0x18280] =	vst v63  }
0x1f3: {  	_ = 	snop  }
0x1f4: {  	[tilespmem:s30], [sflag:$0x1] =	stream.indirect_vreg.gather [hbm4b:s3+s2], $0x80, v3, vm0, $0xb8;
	[tilespmem:$0x18280] =	vst v63  }
0x1f5: {  	s10 =	simm.s32 $0xBA80  }
0x1f6: {  	[tilespmem:s10], [sflag:$0x1] =	stream.indirect_vreg.gather [hbm4b:s4+s2], $0x80, v3, vm0, $0xb8;
	[tilespmem:$0x18280] =	vst v63  }
0x1f7: {  	s6 =	rddreg [dreg:$0x7]  }
0x1f8: {  	[hbm4b:s6+s2] =	stream.linear.scatter [tilespmem:s0], [sflag:$0x2], $0xC000, $0x38;
	[tilespmem:$0x18280] =	vst v63  }
0x1f9: {  	_ =	swait.ge [sflag:s1], $0xC000  }
0x1fa: {  	[sflag:s1] =	ssyncset.done $0x0  }
0x1fb: {  	[sflag:s1] =	ssyncadd.s32 $0xFFFF4000  }
0x1fc: {  	_ =	swait.ge [sflag:s31], $0xC000  }
0x1fd: {  	[sflag:s31] =	ssyncset.done $0x0  }
0x1fe: {  	[sflag:s31] =	ssyncadd.s32 $0xFFFF4000  }
0x1ff: {  	v3 =	vld [tilespmem:$0x1E0];
	_ =	sdelay $0x4  }
0x200: {  	v58 =	vshll.u32 v3, $0x2  }
0x201: {  	v3 =	vand.u32 $0x7, v3;
	v4 =	vand.u32 $0xFFFFFFE0, v58  }
0x202: {  	v3 =	vor.u32 v3, v4  }
0x203: {  	v4 =	vperm.xlane v3, v0;
	_ =	sdelay $0x1  }
0x204: {  	v4 =	vadd.s32 v1, v4;
	_ =	sdelay $0x1  }
0x205: {  	v3 =	vperm.xlane v3, v2;
	_ =	sdelay $0x1  }
0x206: {  	v3 =	vadd.s32 v1, v3  }
0x207: {  	[tilespmem:s0], [sflag:$0x1] =	stream.indirect_vreg.gather [hbm4b:s3+s2], $0x80, v4, vm0, $0xb8;
	[tilespmem:$0x18280] =	vst v63  }
0x208: {  	_ = 	snop  }
0x209: {  	[tilespmem:s8], [sflag:$0x1] =	stream.indirect_vreg.gather [hbm4b:s4+s2], $0x80, v4, vm0, $0xb8;
	[tilespmem:$0x18280] =	vst v63  }
0x20a: {  	s10 =	simm.s32 $0xD280  }
0x20b: {  	[tilespmem:s10], [sflag:$0x1] =	stream.indirect_vreg.gather [hbm4b:s3+s2], $0x80, v3, vm0, $0xb8;
	[tilespmem:$0x18280] =	vst v63  }
0x20c: {  	s8 =	simm.s32 $0xDA80  }
0x20d: {  	[tilespmem:s8], [sflag:$0x1] =	stream.indirect_vreg.gather [hbm4b:s4+s2], $0x80, v3, vm0, $0xb8;
	[tilespmem:$0x18280] =	vst v63  }
0x20e: {  	v3 =	vld [tilespmem:$0x1F0];
	_ =	sdelay $0x4  }
0x20f: {  	v59 =	vshll.u32 v3, $0x2  }
0x210: {  	v3 =	vand.u32 $0x7, v3;
	v4 =	vand.u32 $0xFFFFFFE0, v59  }
0x211: {  	v3 =	vor.u32 v3, v4  }
0x212: {  	v4 =	vperm.xlane v3, v0;
	_ =	sdelay $0x1  }
0x213: {  	v4 =	vadd.s32 v1, v4;
	_ =	sdelay $0x1  }
0x214: {  	v3 =	vperm.xlane v3, v2;
	_ =	sdelay $0x1  }
0x215: {  	s10 =	simm.s32 $0xE280;
	v3 =	vadd.s32 v1, v3  }
0x216: {  	[tilespmem:s10], [sflag:$0x1] =	stream.indirect_vreg.gather [hbm4b:s3+s2], $0x80, v4, vm0, $0xb8;
	[tilespmem:$0x18280] =	vst v63  }
0x217: {  	s8 =	simm.s32 $0xEA80  }
0x218: {  	[tilespmem:s8], [sflag:$0x1] =	stream.indirect_vreg.gather [hbm4b:s4+s2], $0x80, v4, vm0, $0xb8;
	[tilespmem:$0x18280] =	vst v63  }
0x219: {  	s10 =	simm.s32 $0xF280  }
0x21a: {  	[tilespmem:s10], [sflag:$0x1] =	stream.indirect_vreg.gather [hbm4b:s3+s2], $0x80, v3, vm0, $0xb8;
	[tilespmem:$0x18280] =	vst v63  }
0x21b: {  	s8 =	simm.s32 $0xFA80  }
0x21c: {  	[tilespmem:s8], [sflag:$0x1] =	stream.indirect_vreg.gather [hbm4b:s4+s2], $0x80, v3, vm0, $0xb8;
	[tilespmem:$0x18280] =	vst v63  }
0x21d: {  	v3 =	vld [tilespmem:$0x200];
	_ =	sdelay $0x4  }
0x21e: {  	v60 =	vshll.u32 v3, $0x2  }
0x21f: {  	v3 =	vand.u32 $0x7, v3;
	v4 =	vand.u32 $0xFFFFFFE0, v60  }
0x220: {  	v3 =	vor.u32 v3, v4  }
0x221: {  	v4 =	vperm.xlane v3, v0;
	_ =	sdelay $0x1  }
0x222: {  	v4 =	vadd.s32 v1, v4;
	_ =	sdelay $0x1  }
0x223: {  	v3 =	vperm.xlane v3, v2;
	_ =	sdelay $0x1  }
0x224: {  	s10 =	simm.s32 $0x10280;
	v3 =	vadd.s32 v1, v3  }
0x225: {  	[tilespmem:s10], [sflag:$0x1] =	stream.indirect_vreg.gather [hbm4b:s3+s2], $0x80, v4, vm0, $0xb8;
	[tilespmem:$0x18280] =	vst v63  }
0x226: {  	s8 =	simm.s32 $0x10A80  }
0x227: {  	[tilespmem:s8], [sflag:$0x1] =	stream.indirect_vreg.gather [hbm4b:s4+s2], $0x80, v4, vm0, $0xb8;
	[tilespmem:$0x18280] =	vst v63  }
0x228: {  	s10 =	simm.s32 $0x11280  }
0x229: {  	[tilespmem:s10], [sflag:$0x1] =	stream.indirect_vreg.gather [hbm4b:s3+s2], $0x80, v3, vm0, $0xb8;
	[tilespmem:$0x18280] =	vst v63  }
0x22a: {  	s8 =	simm.s32 $0x11A80  }
0x22b: {  	[tilespmem:s8], [sflag:$0x1] =	stream.indirect_vreg.gather [hbm4b:s4+s2], $0x80, v3, vm0, $0xb8;
	[tilespmem:$0x18280] =	vst v63  }
0x22c: {  	v3 =	vld [tilespmem:$0x210];
	_ =	sdelay $0x4  }
0x22d: {  	v61 =	vshll.u32 v3, $0x2  }
0x22e: {  	v3 =	vand.u32 $0x7, v3;
	v4 =	vand.u32 $0xFFFFFFE0, v61  }
0x22f: {  	v3 =	vor.u32 v3, v4  }
0x230: {  	v4 =	vperm.xlane v3, v0;
	_ =	sdelay $0x1  }
0x231: {  	v4 =	vadd.s32 v1, v4;
	_ =	sdelay $0x1  }
0x232: {  	v3 =	vperm.xlane v3, v2;
	_ =	sdelay $0x1  }
0x233: {  	s10 =	simm.s32 $0x12280;
	v3 =	vadd.s32 v1, v3  }
0x234: {  	[tilespmem:s10], [sflag:$0x1] =	stream.indirect_vreg.gather [hbm4b:s3+s2], $0x80, v4, vm0, $0xb8;
	[tilespmem:$0x18280] =	vst v63  }
0x235: {  	s8 =	simm.s32 $0x12A80  }
0x236: {  	[tilespmem:s8], [sflag:$0x1] =	stream.indirect_vreg.gather [hbm4b:s4+s2], $0x80, v4, vm0, $0xb8;
	[tilespmem:$0x18280] =	vst v63  }
0x237: {  	s10 =	simm.s32 $0x13280  }
0x238: {  	[tilespmem:s10], [sflag:$0x1] =	stream.indirect_vreg.gather [hbm4b:s3+s2], $0x80, v3, vm0, $0xb8;
	[tilespmem:$0x18280] =	vst v63  }
0x239: {  	s8 =	simm.s32 $0x13A80  }
0x23a: {  	[tilespmem:s8], [sflag:$0x1] =	stream.indirect_vreg.gather [hbm4b:s4+s2], $0x80, v3, vm0, $0xb8;
	[tilespmem:$0x18280] =	vst v63  }
0x23b: {  	v3 =	vld [tilespmem:$0x220];
	_ =	sdelay $0x4  }
0x23c: {  	v62 =	vshll.u32 v3, $0x2  }
0x23d: {  	v3 =	vand.u32 $0x7, v3;
	v4 =	vand.u32 $0xFFFFFFE0, v62  }
0x23e: {  	v3 =	vor.u32 v3, v4  }
0x23f: {  	v4 =	vperm.xlane v3, v0;
	_ =	sdelay $0x1  }
0x240: {  	v4 =	vadd.s32 v1, v4;
	_ =	sdelay $0x1  }
0x241: {  	v3 =	vperm.xlane v3, v2;
	_ =	sdelay $0x1  }
0x242: {  	s10 =	simm.s32 $0x14280;
	v3 =	vadd.s32 v1, v3  }
0x243: {  	[tilespmem:s10], [sflag:$0x1] =	stream.indirect_vreg.gather [hbm4b:s3+s2], $0x80, v4, vm0, $0xb8;
	[tilespmem:$0x18280] =	vst v63  }
0x244: {  	s8 =	simm.s32 $0x14A80  }
0x245: {  	[tilespmem:s8], [sflag:$0x1] =	stream.indirect_vreg.gather [hbm4b:s4+s2], $0x80, v4, vm0, $0xb8;
	[tilespmem:$0x18280] =	vst v63  }
0x246: {  	s10 =	simm.s32 $0x15280  }
0x247: {  	[tilespmem:s10], [sflag:$0x1] =	stream.indirect_vreg.gather [hbm4b:s3+s2], $0x80, v3, vm0, $0xb8;
	[tilespmem:$0x18280] =	vst v63  }
0x248: {  	s8 =	simm.s32 $0x15A80  }
0x249: {  	[tilespmem:s8], [sflag:$0x1] =	stream.indirect_vreg.gather [hbm4b:s4+s2], $0x80, v3, vm0, $0xb8;
	[tilespmem:$0x18280] =	vst v63  }
0x24a: {  	v3 =	vld [tilespmem:$0x230];
	_ =	sdelay $0x4  }
0x24b: {  	v63 =	vshll.u32 v3, $0x2  }
0x24c: {  	v3 =	vand.u32 $0x7, v3;
	v4 =	vand.u32 $0xFFFFFFE0, v63  }
0x24d: {  	v3 =	vor.u32 v3, v4  }
0x24e: {  	v4 =	vperm.xlane v3, v0;
	_ =	sdelay $0x1  }
0x24f: {  	v4 =	vadd.s32 v1, v4;
	_ =	sdelay $0x1  }
0x250: {  	v3 =	vperm.xlane v3, v2;
	_ =	sdelay $0x1  }
0x251: {  	s10 =	simm.s32 $0x16280;
	v3 =	vadd.s32 v1, v3  }
0x252: {  	[tilespmem:s10], [sflag:$0x1] =	stream.indirect_vreg.gather [hbm4b:s3+s2], $0x80, v4, vm0, $0xb8;
	[tilespmem:$0x18280] =	vst v63  }
0x253: {  	s8 =	simm.s32 $0x16A80  }
0x254: {  	[tilespmem:s8], [sflag:$0x1] =	stream.indirect_vreg.gather [hbm4b:s4+s2], $0x80, v4, vm0, $0xb8;
	[tilespmem:$0x18280] =	vst v63  }
0x255: {  	s10 =	simm.s32 $0x17280  }
0x256: {  	[tilespmem:s10], [sflag:$0x1] =	stream.indirect_vreg.gather [hbm4b:s3+s2], $0x80, v3, vm0, $0xb8;
	[tilespmem:$0x18280] =	vst v63  }
0x257: {  	s9 =	simm.s32 $0x17A80  }
0x258: {  	[tilespmem:s9], [sflag:$0x1] =	stream.indirect_vreg.gather [hbm4b:s4+s2], $0x80, v3, vm0, $0xb8;
	[tilespmem:$0x18280] =	vst v63  }
0x259: {  	s8 =	rddreg [dreg:$0x8]  }
0x25a: {  	[hbm4b:s8+s2] =	stream.linear.scatter [tilespmem:s7], [sflag:$0x2], $0xC000, $0x38;
	[tilespmem:$0x18280] =	vst v63  }
0x25b: {  	_ =	swait.ge [sflag:s1], $0xC000  }
0x25c: {  	[sflag:s1] =	ssyncset.done $0x0  }
0x25d: {  	s10 =	rddreg [dreg:$0x9];
	[sflag:s1] =	ssyncadd.s32 $0xFFFF4000  }
0x25e: {  	[hbm4b:s10+s2] =	stream.linear.scatter [tilespmem:s0], [sflag:$0x2], $0xC000, $0x38;
	[tilespmem:$0x18280] =	vst v63  }
0x25f: {  	p0 =	sne.s32 s5, $0x1;
	_ =	swait.ge [sflag:s31], $0xC000  }
.Ltmp0:
0x260: {  	[sflag:s31] =	ssyncset.done $0x0;
	(pc) =	sbr.rel @p0 .LBB2_1-.Ltmp0, $4  }
0x261: {  	[sflag:s31] =	ssyncadd.s32 $0xFFFF4000  }
0x262: {  	_ =	swait.ge [sflag:s31], $0xC000  }
0x263: {  	[sflag:s31] =	ssyncset.done $0x0  }
0x264: {  	s5 =	sadd.s32 $0xFFFFFFFF, s5;
	[sflag:s31] =	ssyncadd.s32 $0xFFFF4000  }
0x265: {  	_ =	sfence.sel $0x180000  }
0x266: {  	[bflag:$0x0] =	sbarrier.arrive $0xFFFF  }
0x267: {  	_ =	strace $0x90000047  }
0x268: {  	s0 =	stileid.u32;
	[bflag:$0x2] =	sbarrier.arrive $0xFFFF  }
0x269: {  	p0 =	sne.s32 s0, $0x0;
	s0 =	rddreg [dreg:$0x2]  }
0x26a: {  	s0 =	sadd.s32 @!p0 $0x100000, s0  }
0x26b: {  	[sflag:s0] =	ssyncadd.tile.s32 @!p0 $0x1;
	_ =	shalt  }
.Lfunc_end2:
_tile_overlayer_lowered:
.L_overlay_start_2:
0x26c: {  	(tag) =	ssettag $0x2  }
0x26d: {  	s0 =	rddreg [dreg:$0x0];
	s2 =	stileid.u32  }
0x26e: {  	s1 =	rddreg [dreg:$0x1];
	p0 =	sne.s32 s2, $0x0  }
0x26f: {  	s3 =	rddreg [dreg:$0x2];
	[bflag:$0x3] =	sbarrier.arrive $0xFFFF;
	s2 =	simm.s32 @!p0 $0x1C03  }
0x270: {  	[timem:s3], [sflag:s2] =	dma.local @!p0 [hbm:s0], s1  }
0x271: {  	s0 =	simm.s32 @!p0 $0x3  }
0x272: {  	_ =	swait.ge @!p0 [sflag:s0], s1  }
0x273: {  	s1 =	ssub.s32 @!p0 $0x0, s1;
	[sflag:s0] =	ssyncset.done @!p0 $0x0  }
0x274: {  	[sflag:s0] =	ssyncadd.s32 @!p0 s1  }
0x275: {  	[bflag:$0x3] =	sbarrier.arrive $0xFFFF  }
0x276: {  	_ =	shalt  }

</sc_bundles>
